<compile_context>
chip_gen: v7x
topology: tpu7x:2x2x1
jax: 0.10.2.dev20260603
libtpu: 0.0.44.dev20260713+nightly
codegen_flags: <defaults>
</compile_context>

<pallas_src>
import functools

import jax
import jax.numpy as jnp
from jax import lax
from jax.experimental import pallas as pl
from jax.experimental.pallas import tpu as pltpu
from jax.experimental.pallas import tpu_sc as plsc

_NC = 2
_NS = 16
_NW = _NC * _NS
_C = 128


def _sc_gather(table, idx3):
    nchunks_w = idx3.shape[1]
    n = _NW * nchunks_w * _C
    d = table.shape[1]
    per_w = nchunks_w * _C
    assert nchunks_w % 4 == 2 and nchunks_w >= 6
    mesh = plsc.VectorSubcoreMesh(core_axis_name="c", subcore_axis_name="s")

    @functools.partial(
        pl.kernel,
        out_type=jax.ShapeDtypeStruct((n, d), jnp.float32),
        mesh=mesh,
        scratch_types=[
            pltpu.VMEM((nchunks_w, _C), jnp.int32),
            pltpu.VMEM((_C, d), jnp.float32),
            pltpu.VMEM((_C, d), jnp.float32),
            pltpu.VMEM((_C, d), jnp.float32),
            pltpu.VMEM((_C, d), jnp.float32),
            pltpu.SemaphoreType.DMA,
            pltpu.SemaphoreType.DMA,
            pltpu.SemaphoreType.DMA,
            pltpu.SemaphoreType.DMA,
            pltpu.SemaphoreType.DMA,
            pltpu.SemaphoreType.DMA,
            pltpu.SemaphoreType.DMA,
            pltpu.SemaphoreType.DMA,
        ],
    )
    def gather_kernel(table_hbm, idx_hbm, out_hbm, idxb,
                      r0, r1, r2, r3, g0, g1, g2, g3, t0, t1, t2, t3):
        wid = lax.axis_index("s") * _NC + lax.axis_index("c")
        base = wid * per_w
        pltpu.sync_copy(idx_hbm.at[wid], idxb)

        bufs = (r0, r1, r2, r3)
        gsem = (g0, g1, g2, g3)
        tsem = (t0, t1, t2, t3)

        def start_g(i, b):
            pltpu.async_copy(table_hbm.at[idxb.at[i]], bufs[b], gsem[b])

        def wait_g(b):
            pltpu.make_async_copy(
                table_hbm.at[idxb.at[0]], bufs[b], gsem[b]).wait()

        def start_st(i, b):
            pltpu.async_copy(bufs[b], out_hbm.at[pl.ds(base + i * _C, _C)],
                             tsem[b])

        def wait_st(b):
            pltpu.make_async_copy(
                bufs[b], out_hbm.at[pl.ds(base, _C)], tsem[b]).wait()

        start_g(0, 0)
        start_g(1, 1)
        wait_g(0); start_st(0, 0); start_g(2, 2)
        wait_g(1); start_st(1, 1); start_g(3, 3)
        wait_g(2); start_st(2, 2); wait_st(0); start_g(4, 0)
        wait_g(3); start_st(3, 3); wait_st(1); start_g(5, 1)

        def body(j, carry):
            for b in range(4):
                i = 4 * j + b
                wait_g(b)
                start_st(i, b)
                bp = (b + 2) % 4
                wait_st(bp)
                start_g(i + 2, bp)
            return carry

        lax.fori_loop(1, (nchunks_w - 2) // 4, body, 0)
        wait_g(0); start_st(nchunks_w - 2, 0)
        wait_g(1); start_st(nchunks_w - 1, 1)
        wait_st(2); wait_st(3); wait_st(0); wait_st(1)

    return gather_kernel(table, idx3)


def _project(x3, pos, tok, w, b2, bb):
    batch, seq, d = x3.shape
    h = w.shape[0]

    def body(x_ref, pos_ref, tok_ref, w_ref, b_ref, o_ref):
        ptok = pos_ref[...] + tok_ref[...]
        s = (x_ref[...] + ptok[None]).reshape(bb * seq, d).astype(jnp.bfloat16)
        wb = w_ref[...].astype(jnp.bfloat16)
        y = lax.dot_general(
            s, wb,
            dimension_numbers=(((1,), (1,)), ((), ())),
            preferred_element_type=jnp.float32,
        )
        o_ref[...] = (y + b_ref[...]).reshape(bb, seq, h)

    return pl.pallas_call(
        body,
        grid=(batch // bb,),
        in_specs=[
            pl.BlockSpec((bb, seq, d), lambda i: (i, 0, 0)),
            pl.BlockSpec((seq, d), lambda i: (0, 0)),
            pl.BlockSpec((1, d), lambda i: (0, 0)),
            pl.BlockSpec((h, d), lambda i: (0, 0)),
            pl.BlockSpec((1, h), lambda i: (0, 0)),
        ],
        out_specs=pl.BlockSpec((bb, seq, h), lambda i: (i, 0, 0)),
        out_shape=jax.ShapeDtypeStruct((batch, seq, h), jnp.float32),
    )(x3, pos, tok, w, b2)


def kernel(input_ids, word_embeddings, token_type_embeddings, position_embeddings, W, b):
    batch, seq = input_ids.shape
    d = word_embeddings.shape[1]
    h = W.shape[0]
    n = batch * seq
    idx3 = input_ids.reshape(_NW, n // (_NW * _C), _C).astype(jnp.int32)
    gathered = _sc_gather(word_embeddings, idx3)
    x3 = gathered.reshape(batch, seq, d)
    pos = position_embeddings[:seq]
    tok = token_type_embeddings[0:1]
    b2 = b.reshape(1, h)
    return _project(x3, pos, tok, W, b2, 32)

# --- scband reference (transcript-rebuilt; emitter-appended) ---
"""Pipeline reference for scband-projected-bert-embeddings-61632780698170 (READ-ONLY COPY).

The authoritative reference and input builder live on the scoring server;
editing this copy changes nothing except your own understanding.
"""

import jax, jax.numpy as jnp
import numpy as np

VOCAB = 100000
EMBED_DIM = 128
HIDDEN = 512
MAX_POS = 512
N_TOKEN_TYPES = 2
BATCH = 1024
SEQ = 200


def setup_inputs(seed: int = 0) -> dict:
    key = jax.random.key(seed)
    k1, k2, k3, k4, k5, k6 = jax.random.split(key, 6)
    input_ids = jax.random.randint(k1, (BATCH, SEQ), 0, VOCAB, dtype=jnp.int64 if jax.config.jax_enable_x64 else jnp.int32)
    word_embeddings = jax.random.normal(k2, (VOCAB, EMBED_DIM), dtype=jnp.float32) * 0.02
    token_type_embeddings = jax.random.normal(k3, (N_TOKEN_TYPES, EMBED_DIM), dtype=jnp.float32) * 0.02
    position_embeddings = jax.random.normal(k4, (MAX_POS, EMBED_DIM), dtype=jnp.float32) * 0.02
    W = jax.random.normal(k5, (HIDDEN, EMBED_DIM), dtype=jnp.float32) * (1.0 / np.sqrt(EMBED_DIM))
    b = jax.random.normal(k6, (HIDDEN,), dtype=jnp.float32) * 0.01
    return {
        "input_ids": input_ids,
        "word_embeddings": word_embeddings,
        "token_type_embeddings": token_type_embeddings,
        "position_embeddings": position_embeddings,
        "W": W,
        "b": b,
    }


def reference(input_ids, word_embeddings, token_type_embeddings, position_embeddings, W, b):
    # token_type_ids default: zeros_like(input_ids)
    token_type_ids = jnp.zeros_like(input_ids)
    # position_ids default: arange(seq).expand(1, -1), broadcast over batch
    position_ids = jnp.arange(input_ids.shape[1])[None, :]
    input_emb = jnp.take(word_embeddings, input_ids, axis=0)
    pos_emb = jnp.take(position_embeddings, position_ids, axis=0)
    tok_emb = jnp.take(token_type_embeddings, token_type_ids, axis=0)
    embedding_sum = input_emb + tok_emb + pos_emb
    # projection: Linear(EMBED_DIM -> HIDDEN), weight shape [HIDDEN, EMBED_DIM]
    return embedding_sum @ W.T + b

if __name__ == "__main__":
    import jax
    _d = setup_inputs()
    print(jax.jit(kernel)(*tuple(_d.values())))

</pallas_src>

<mosaic_0001>
#map = affine_map<(d0, d1) -> (0, 0)>
#map1 = affine_map<(d0, d1) -> (0, 0, 0)>
module attributes {stable_mosaic.version = 14 : i64} {
  func.func @gather_kernel(%arg0: i32, %arg1: i32, %arg2: memref<100000x128xf32, #tpu.memory_space<hbm>>, %arg3: memref<32x50x128xi32, #tpu.memory_space<hbm>>, %arg4: memref<204800x128xf32, #tpu.memory_space<hbm>>, %arg5: memref<50x128xi32, #tpu.memory_space<vmem>>, %arg6: memref<128x128xf32, #tpu.memory_space<vmem>>, %arg7: memref<128x128xf32, #tpu.memory_space<vmem>>, %arg8: memref<128x128xf32, #tpu.memory_space<vmem>>, %arg9: memref<128x128xf32, #tpu.memory_space<vmem>>, %arg10: memref<!tpu.dma_semaphore, #tpu.memory_space<semaphore_mem>>, %arg11: memref<!tpu.dma_semaphore, #tpu.memory_space<semaphore_mem>>, %arg12: memref<!tpu.dma_semaphore, #tpu.memory_space<semaphore_mem>>, %arg13: memref<!tpu.dma_semaphore, #tpu.memory_space<semaphore_mem>>, %arg14: memref<!tpu.dma_semaphore, #tpu.memory_space<semaphore_mem>>, %arg15: memref<!tpu.dma_semaphore, #tpu.memory_space<semaphore_mem>>, %arg16: memref<!tpu.dma_semaphore, #tpu.memory_space<semaphore_mem>>, %arg17: memref<!tpu.dma_semaphore, #tpu.memory_space<semaphore_mem>>) attributes {dimension_semantics = [#tpu.dimension_semantics<core_parallel>, #tpu.dimension_semantics<subcore_parallel>], iteration_bounds = array<i64: 2, 16>, scalar_prefetch = 0 : i64, scratch_operands = 13 : i64, tpu.core_type = #tpu.core_type<sc_vector_subcore>, window_params = [{transform_indices = #map}, {transform_indices = #map1}, {transform_indices = #map}]} {
    %mul3A = arith.constant 2 : i32
    %mul3A_0 = arith.muli %arg1, %mul3A : i32
    %add3A = arith.addi %mul3A_0, %arg0 : i32
    %mul3A_1 = arith.constant 6400 : i32
    %mul3A_2 = arith.muli %add3A, %mul3A_1 : i32
    "tpu.region"() ({
      %run_scoped3A = tpu.sem_alloc : memref<!tpu.dma_semaphore, #tpu.memory_space<semaphore_mem>>
      %dma_start3A_150 = arith.constant 0 : i32
      %dma_start3A_151 = arith.constant 0 : i32
      %dma_start3A_152 = tpu.memref_slice %arg3[%add3A, %dma_start3A_150, %dma_start3A_151] : memref<32x50x128xi32, #tpu.memory_space<hbm>> -> memref<1x50x128xi32, #tpu.memory_space<hbm>>
      %dma_start3A_153 = tpu.memref_squeeze %dma_start3A_152 : memref<1x50x128xi32, #tpu.memory_space<hbm>> -> memref<50x128xi32, #tpu.memory_space<hbm>>
      %dma_start3A_154 = arith.constant 0 : i32
      %dma_start3A_155 = arith.constant 0 : i32
      %dma_start3A_156 = tpu.memref_slice %arg3[%add3A, %dma_start3A_154, %dma_start3A_155] : memref<32x50x128xi32, #tpu.memory_space<hbm>> -> memref<1x50x128xi32, #tpu.memory_space<hbm>>
      %dma_start3A_157 = tpu.memref_squeeze %dma_start3A_156 : memref<1x50x128xi32, #tpu.memory_space<hbm>> -> memref<50x128xi32, #tpu.memory_space<hbm>>
      tpu.enqueue_dma source(%dma_start3A_157 : memref<50x128xi32, #tpu.memory_space<hbm>>) target(%arg5 : memref<50x128xi32, #tpu.memory_space<vmem>>) target_semaphore(%run_scoped3A : memref<!tpu.dma_semaphore, #tpu.memory_space<semaphore_mem>>)
      %dma_wait3A_158 = arith.constant 0 : i32
      %dma_wait3A_159 = arith.constant 0 : i32
      %dma_wait3A_160 = tpu.memref_slice %arg3[%add3A, %dma_wait3A_158, %dma_wait3A_159] : memref<32x50x128xi32, #tpu.memory_space<hbm>> -> memref<1x50x128xi32, #tpu.memory_space<hbm>>
      %dma_wait3A_161 = tpu.memref_squeeze %dma_wait3A_160 : memref<1x50x128xi32, #tpu.memory_space<hbm>> -> memref<50x128xi32, #tpu.memory_space<hbm>>
      %dma_wait3A_162 = arith.constant 0 : i32
      %dma_wait3A_163 = arith.constant 0 : i32
      %dma_wait3A_164 = tpu.memref_slice %arg3[%add3A, %dma_wait3A_162, %dma_wait3A_163] : memref<32x50x128xi32, #tpu.memory_space<hbm>> -> memref<1x50x128xi32, #tpu.memory_space<hbm>>
      %dma_wait3A_165 = tpu.memref_squeeze %dma_wait3A_164 : memref<1x50x128xi32, #tpu.memory_space<hbm>> -> memref<50x128xi32, #tpu.memory_space<hbm>>
      tpu.wait_dma2 semaphore(%run_scoped3A : memref<!tpu.dma_semaphore, #tpu.memory_space<semaphore_mem>>) src(%dma_wait3A_165 : memref<50x128xi32, #tpu.memory_space<hbm>>) dst(%arg5 : memref<50x128xi32, #tpu.memory_space<vmem>>)
      tpu.yield
    }) : () -> ()
    %dma_start3A = arith.constant 0 : i32
    %dma_start3A_3 = arith.constant 0 : i32
    %dma_start3A_4 = tpu.memref_slice %arg5[%dma_start3A, %dma_start3A_3] : memref<50x128xi32, #tpu.memory_space<vmem>> -> memref<1x128xi32, #tpu.memory_space<vmem>>
    %dma_start3A_5 = tpu.memref_squeeze %dma_start3A_4 : memref<1x128xi32, #tpu.memory_space<vmem>> -> memref<128xi32, #tpu.memory_space<vmem>>
    %dma_start3A_6 = arith.constant 0 : i32
    %dma_start3A_7 = arith.constant 0 : i32
    %dma_start3A_8 = tpu.memref_slice %arg2[%dma_start3A_6, %dma_start3A_7] : memref<100000x128xf32, #tpu.memory_space<hbm>> -> memref<100000x128xf32, #tpu.memory_space<hbm>>
    tpu.enqueue_indirect_dma source(%dma_start3A_8 : memref<100000x128xf32, #tpu.memory_space<hbm>>) target(%arg6 : memref<128x128xf32, #tpu.memory_space<vmem>>) offsets(%dma_start3A_5 : memref<128xi32, #tpu.memory_space<vmem>>) semaphore(%arg10 : memref<!tpu.dma_semaphore, #tpu.memory_space<semaphore_mem>>)
    %dma_start3A_9 = arith.constant 1 : i32
    %dma_start3A_10 = arith.constant 0 : i32
    %dma_start3A_11 = tpu.memref_slice %arg5[%dma_start3A_9, %dma_start3A_10] : memref<50x128xi32, #tpu.memory_space<vmem>> -> memref<1x128xi32, #tpu.memory_space<vmem>>
    %dma_start3A_12 = tpu.memref_squeeze %dma_start3A_11 : memref<1x128xi32, #tpu.memory_space<vmem>> -> memref<128xi32, #tpu.memory_space<vmem>>
    %dma_start3A_13 = arith.constant 0 : i32
    %dma_start3A_14 = arith.constant 0 : i32
    %dma_start3A_15 = tpu.memref_slice %arg2[%dma_start3A_13, %dma_start3A_14] : memref<100000x128xf32, #tpu.memory_space<hbm>> -> memref<100000x128xf32, #tpu.memory_space<hbm>>
    tpu.enqueue_indirect_dma source(%dma_start3A_15 : memref<100000x128xf32, #tpu.memory_space<hbm>>) target(%arg7 : memref<128x128xf32, #tpu.memory_space<vmem>>) offsets(%dma_start3A_12 : memref<128xi32, #tpu.memory_space<vmem>>) semaphore(%arg11 : memref<!tpu.dma_semaphore, #tpu.memory_space<semaphore_mem>>)
    %dma_wait3A = arith.constant 0 : i32
    %dma_wait3A_16 = arith.constant 0 : i32
    %dma_wait3A_17 = tpu.memref_slice %arg5[%dma_wait3A, %dma_wait3A_16] : memref<50x128xi32, #tpu.memory_space<vmem>> -> memref<1x128xi32, #tpu.memory_space<vmem>>
    %dma_wait3A_18 = tpu.memref_squeeze %dma_wait3A_17 : memref<1x128xi32, #tpu.memory_space<vmem>> -> memref<128xi32, #tpu.memory_space<vmem>>
    %dma_wait3A_19 = arith.constant 0 : i32
    %dma_wait3A_20 = arith.constant 0 : i32
    %dma_wait3A_21 = tpu.memref_slice %arg2[%dma_wait3A_19, %dma_wait3A_20] : memref<100000x128xf32, #tpu.memory_space<hbm>> -> memref<100000x128xf32, #tpu.memory_space<hbm>>
    tpu.wait_indirect_dma semaphore(%arg10 : memref<!tpu.dma_semaphore, #tpu.memory_space<semaphore_mem>>) src(%dma_wait3A_21 : memref<100000x128xf32, #tpu.memory_space<hbm>>) dst(%arg6 : memref<128x128xf32, #tpu.memory_space<vmem>>)
    %add3A_22 = arith.constant 0 : i32
    %add3A_23 = arith.addi %mul3A_2, %add3A_22 : i32
    %dma_start3A_24 = arith.constant 0 : i32
    %dma_start3A_25 = tpu.memref_slice %arg4[%add3A_23, %dma_start3A_24] : memref<204800x128xf32, #tpu.memory_space<hbm>> -> memref<128x128xf32, #tpu.memory_space<hbm>>
    %dma_start3A_26 = arith.constant 0 : i32
    %dma_start3A_27 = tpu.memref_slice %arg4[%add3A_23, %dma_start3A_26] : memref<204800x128xf32, #tpu.memory_space<hbm>> -> memref<128x128xf32, #tpu.memory_space<hbm>>
    tpu.enqueue_dma source(%arg6 : memref<128x128xf32, #tpu.memory_space<vmem>>) target(%dma_start3A_27 : memref<128x128xf32, #tpu.memory_space<hbm>>) target_semaphore(%arg14 : memref<!tpu.dma_semaphore, #tpu.memory_space<semaphore_mem>>)
    %dma_start3A_28 = arith.constant 2 : i32
    %dma_start3A_29 = arith.constant 0 : i32
    %dma_start3A_30 = tpu.memref_slice %arg5[%dma_start3A_28, %dma_start3A_29] : memref<50x128xi32, #tpu.memory_space<vmem>> -> memref<1x128xi32, #tpu.memory_space<vmem>>
    %dma_start3A_31 = tpu.memref_squeeze %dma_start3A_30 : memref<1x128xi32, #tpu.memory_space<vmem>> -> memref<128xi32, #tpu.memory_space<vmem>>
    %dma_start3A_32 = arith.constant 0 : i32
    %dma_start3A_33 = arith.constant 0 : i32
    %dma_start3A_34 = tpu.memref_slice %arg2[%dma_start3A_32, %dma_start3A_33] : memref<100000x128xf32, #tpu.memory_space<hbm>> -> memref<100000x128xf32, #tpu.memory_space<hbm>>
    tpu.enqueue_indirect_dma source(%dma_start3A_34 : memref<100000x128xf32, #tpu.memory_space<hbm>>) target(%arg8 : memref<128x128xf32, #tpu.memory_space<vmem>>) offsets(%dma_start3A_31 : memref<128xi32, #tpu.memory_space<vmem>>) semaphore(%arg12 : memref<!tpu.dma_semaphore, #tpu.memory_space<semaphore_mem>>)
    %dma_wait3A_35 = arith.constant 0 : i32
    %dma_wait3A_36 = arith.constant 0 : i32
    %dma_wait3A_37 = tpu.memref_slice %arg5[%dma_wait3A_35, %dma_wait3A_36] : memref<50x128xi32, #tpu.memory_space<vmem>> -> memref<1x128xi32, #tpu.memory_space<vmem>>
    %dma_wait3A_38 = tpu.memref_squeeze %dma_wait3A_37 : memref<1x128xi32, #tpu.memory_space<vmem>> -> memref<128xi32, #tpu.memory_space<vmem>>
    %dma_wait3A_39 = arith.constant 0 : i32
    %dma_wait3A_40 = arith.constant 0 : i32
    %dma_wait3A_41 = tpu.memref_slice %arg2[%dma_wait3A_39, %dma_wait3A_40] : memref<100000x128xf32, #tpu.memory_space<hbm>> -> memref<100000x128xf32, #tpu.memory_space<hbm>>
    tpu.wait_indirect_dma semaphore(%arg11 : memref<!tpu.dma_semaphore, #tpu.memory_space<semaphore_mem>>) src(%dma_wait3A_41 : memref<100000x128xf32, #tpu.memory_space<hbm>>) dst(%arg7 : memref<128x128xf32, #tpu.memory_space<vmem>>)
    %add3A_42 = arith.constant 128 : i32
    %add3A_43 = arith.addi %mul3A_2, %add3A_42 : i32
    %dma_start3A_44 = arith.constant 0 : i32
    %dma_start3A_45 = tpu.memref_slice %arg4[%add3A_43, %dma_start3A_44] : memref<204800x128xf32, #tpu.memory_space<hbm>> -> memref<128x128xf32, #tpu.memory_space<hbm>>
    %dma_start3A_46 = arith.constant 0 : i32
    %dma_start3A_47 = tpu.memref_slice %arg4[%add3A_43, %dma_start3A_46] : memref<204800x128xf32, #tpu.memory_space<hbm>> -> memref<128x128xf32, #tpu.memory_space<hbm>>
    tpu.enqueue_dma source(%arg7 : memref<128x128xf32, #tpu.memory_space<vmem>>) target(%dma_start3A_47 : memref<128x128xf32, #tpu.memory_space<hbm>>) target_semaphore(%arg15 : memref<!tpu.dma_semaphore, #tpu.memory_space<semaphore_mem>>)
    %dma_start3A_48 = arith.constant 3 : i32
    %dma_start3A_49 = arith.constant 0 : i32
    %dma_start3A_50 = tpu.memref_slice %arg5[%dma_start3A_48, %dma_start3A_49] : memref<50x128xi32, #tpu.memory_space<vmem>> -> memref<1x128xi32, #tpu.memory_space<vmem>>
    %dma_start3A_51 = tpu.memref_squeeze %dma_start3A_50 : memref<1x128xi32, #tpu.memory_space<vmem>> -> memref<128xi32, #tpu.memory_space<vmem>>
    %dma_start3A_52 = arith.constant 0 : i32
    %dma_start3A_53 = arith.constant 0 : i32
    %dma_start3A_54 = tpu.memref_slice %arg2[%dma_start3A_52, %dma_start3A_53] : memref<100000x128xf32, #tpu.memory_space<hbm>> -> memref<100000x128xf32, #tpu.memory_space<hbm>>
    tpu.enqueue_indirect_dma source(%dma_start3A_54 : memref<100000x128xf32, #tpu.memory_space<hbm>>) target(%arg9 : memref<128x128xf32, #tpu.memory_space<vmem>>) offsets(%dma_start3A_51 : memref<128xi32, #tpu.memory_space<vmem>>) semaphore(%arg13 : memref<!tpu.dma_semaphore, #tpu.memory_space<semaphore_mem>>)
    %dma_wait3A_55 = arith.constant 0 : i32
    %dma_wait3A_56 = arith.constant 0 : i32
    %dma_wait3A_57 = tpu.memref_slice %arg5[%dma_wait3A_55, %dma_wait3A_56] : memref<50x128xi32, #tpu.memory_space<vmem>> -> memref<1x128xi32, #tpu.memory_space<vmem>>
    %dma_wait3A_58 = tpu.memref_squeeze %dma_wait3A_57 : memref<1x128xi32, #tpu.memory_space<vmem>> -> memref<128xi32, #tpu.memory_space<vmem>>
    %dma_wait3A_59 = arith.constant 0 : i32
    %dma_wait3A_60 = arith.constant 0 : i32
    %dma_wait3A_61 = tpu.memref_slice %arg2[%dma_wait3A_59, %dma_wait3A_60] : memref<100000x128xf32, #tpu.memory_space<hbm>> -> memref<100000x128xf32, #tpu.memory_space<hbm>>
    tpu.wait_indirect_dma semaphore(%arg12 : memref<!tpu.dma_semaphore, #tpu.memory_space<semaphore_mem>>) src(%dma_wait3A_61 : memref<100000x128xf32, #tpu.memory_space<hbm>>) dst(%arg8 : memref<128x128xf32, #tpu.memory_space<vmem>>)
    %add3A_62 = arith.constant 256 : i32
    %add3A_63 = arith.addi %mul3A_2, %add3A_62 : i32
    %dma_start3A_64 = arith.constant 0 : i32
    %dma_start3A_65 = tpu.memref_slice %arg4[%add3A_63, %dma_start3A_64] : memref<204800x128xf32, #tpu.memory_space<hbm>> -> memref<128x128xf32, #tpu.memory_space<hbm>>
    %dma_start3A_66 = arith.constant 0 : i32
    %dma_start3A_67 = tpu.memref_slice %arg4[%add3A_63, %dma_start3A_66] : memref<204800x128xf32, #tpu.memory_space<hbm>> -> memref<128x128xf32, #tpu.memory_space<hbm>>
    tpu.enqueue_dma source(%arg8 : memref<128x128xf32, #tpu.memory_space<vmem>>) target(%dma_start3A_67 : memref<128x128xf32, #tpu.memory_space<hbm>>) target_semaphore(%arg16 : memref<!tpu.dma_semaphore, #tpu.memory_space<semaphore_mem>>)
    %dma_wait3A_68 = arith.constant 0 : i32
    %dma_wait3A_69 = tpu.memref_slice %arg4[%mul3A_2, %dma_wait3A_68] : memref<204800x128xf32, #tpu.memory_space<hbm>> -> memref<128x128xf32, #tpu.memory_space<hbm>>
    %dma_wait3A_70 = arith.constant 0 : i32
    %dma_wait3A_71 = tpu.memref_slice %arg4[%mul3A_2, %dma_wait3A_70] : memref<204800x128xf32, #tpu.memory_space<hbm>> -> memref<128x128xf32, #tpu.memory_space<hbm>>
    tpu.wait_dma2 semaphore(%arg14 : memref<!tpu.dma_semaphore, #tpu.memory_space<semaphore_mem>>) src(%arg6 : memref<128x128xf32, #tpu.memory_space<vmem>>) dst(%dma_wait3A_71 : memref<128x128xf32, #tpu.memory_space<hbm>>)
    %dma_start3A_72 = arith.constant 4 : i32
    %dma_start3A_73 = arith.constant 0 : i32
    %dma_start3A_74 = tpu.memref_slice %arg5[%dma_start3A_72, %dma_start3A_73] : memref<50x128xi32, #tpu.memory_space<vmem>> -> memref<1x128xi32, #tpu.memory_space<vmem>>
    %dma_start3A_75 = tpu.memref_squeeze %dma_start3A_74 : memref<1x128xi32, #tpu.memory_space<vmem>> -> memref<128xi32, #tpu.memory_space<vmem>>
    %dma_start3A_76 = arith.constant 0 : i32
    %dma_start3A_77 = arith.constant 0 : i32
    %dma_start3A_78 = tpu.memref_slice %arg2[%dma_start3A_76, %dma_start3A_77] : memref<100000x128xf32, #tpu.memory_space<hbm>> -> memref<100000x128xf32, #tpu.memory_space<hbm>>
    tpu.enqueue_indirect_dma source(%dma_start3A_78 : memref<100000x128xf32, #tpu.memory_space<hbm>>) target(%arg6 : memref<128x128xf32, #tpu.memory_space<vmem>>) offsets(%dma_start3A_75 : memref<128xi32, #tpu.memory_space<vmem>>) semaphore(%arg10 : memref<!tpu.dma_semaphore, #tpu.memory_space<semaphore_mem>>)
    %dma_wait3A_79 = arith.constant 0 : i32
    %dma_wait3A_80 = arith.constant 0 : i32
    %dma_wait3A_81 = tpu.memref_slice %arg5[%dma_wait3A_79, %dma_wait3A_80] : memref<50x128xi32, #tpu.memory_space<vmem>> -> memref<1x128xi32, #tpu.memory_space<vmem>>
    %dma_wait3A_82 = tpu.memref_squeeze %dma_wait3A_81 : memref<1x128xi32, #tpu.memory_space<vmem>> -> memref<128xi32, #tpu.memory_space<vmem>>
    %dma_wait3A_83 = arith.constant 0 : i32
    %dma_wait3A_84 = arith.constant 0 : i32
    %dma_wait3A_85 = tpu.memref_slice %arg2[%dma_wait3A_83, %dma_wait3A_84] : memref<100000x128xf32, #tpu.memory_space<hbm>> -> memref<100000x128xf32, #tpu.memory_space<hbm>>
    tpu.wait_indirect_dma semaphore(%arg13 : memref<!tpu.dma_semaphore, #tpu.memory_space<semaphore_mem>>) src(%dma_wait3A_85 : memref<100000x128xf32, #tpu.memory_space<hbm>>) dst(%arg9 : memref<128x128xf32, #tpu.memory_space<vmem>>)
    %add3A_86 = arith.constant 384 : i32
    %add3A_87 = arith.addi %mul3A_2, %add3A_86 : i32
    %dma_start3A_88 = arith.constant 0 : i32
    %dma_start3A_89 = tpu.memref_slice %arg4[%add3A_87, %dma_start3A_88] : memref<204800x128xf32, #tpu.memory_space<hbm>> -> memref<128x128xf32, #tpu.memory_space<hbm>>
    %dma_start3A_90 = arith.constant 0 : i32
    %dma_start3A_91 = tpu.memref_slice %arg4[%add3A_87, %dma_start3A_90] : memref<204800x128xf32, #tpu.memory_space<hbm>> -> memref<128x128xf32, #tpu.memory_space<hbm>>
    tpu.enqueue_dma source(%arg9 : memref<128x128xf32, #tpu.memory_space<vmem>>) target(%dma_start3A_91 : memref<128x128xf32, #tpu.memory_space<hbm>>) target_semaphore(%arg17 : memref<!tpu.dma_semaphore, #tpu.memory_space<semaphore_mem>>)
    %dma_wait3A_92 = arith.constant 0 : i32
    %dma_wait3A_93 = tpu.memref_slice %arg4[%mul3A_2, %dma_wait3A_92] : memref<204800x128xf32, #tpu.memory_space<hbm>> -> memref<128x128xf32, #tpu.memory_space<hbm>>
    %dma_wait3A_94 = arith.constant 0 : i32
    %dma_wait3A_95 = tpu.memref_slice %arg4[%mul3A_2, %dma_wait3A_94] : memref<204800x128xf32, #tpu.memory_space<hbm>> -> memref<128x128xf32, #tpu.memory_space<hbm>>
    tpu.wait_dma2 semaphore(%arg15 : memref<!tpu.dma_semaphore, #tpu.memory_space<semaphore_mem>>) src(%arg7 : memref<128x128xf32, #tpu.memory_space<vmem>>) dst(%dma_wait3A_95 : memref<128x128xf32, #tpu.memory_space<hbm>>)
    %dma_start3A_96 = arith.constant 5 : i32
    %dma_start3A_97 = arith.constant 0 : i32
    %dma_start3A_98 = tpu.memref_slice %arg5[%dma_start3A_96, %dma_start3A_97] : memref<50x128xi32, #tpu.memory_space<vmem>> -> memref<1x128xi32, #tpu.memory_space<vmem>>
    %dma_start3A_99 = tpu.memref_squeeze %dma_start3A_98 : memref<1x128xi32, #tpu.memory_space<vmem>> -> memref<128xi32, #tpu.memory_space<vmem>>
    %dma_start3A_100 = arith.constant 0 : i32
    %dma_start3A_101 = arith.constant 0 : i32
    %dma_start3A_102 = tpu.memref_slice %arg2[%dma_start3A_100, %dma_start3A_101] : memref<100000x128xf32, #tpu.memory_space<hbm>> -> memref<100000x128xf32, #tpu.memory_space<hbm>>
    tpu.enqueue_indirect_dma source(%dma_start3A_102 : memref<100000x128xf32, #tpu.memory_space<hbm>>) target(%arg7 : memref<128x128xf32, #tpu.memory_space<vmem>>) offsets(%dma_start3A_99 : memref<128xi32, #tpu.memory_space<vmem>>) semaphore(%arg11 : memref<!tpu.dma_semaphore, #tpu.memory_space<semaphore_mem>>)
    %scan3A = arith.constant 0 : i32
    %scan3A_103 = arith.constant 1 : i32
    %scan3A_104 = arith.constant 11 : i32
    %scan3A_105 = arith.addi %scan3A_103, %scan3A_104 : i32
    %scan3A_106 = arith.constant 1 : i32
    scf.for %scan3A_150 = %scan3A_103 to %scan3A_105 step %scan3A_106  : i32 {
      %mul3A_151 = arith.constant 4 : i32
      %mul3A_152 = arith.muli %mul3A_151, %scan3A_150 : i32
      %add3A_153 = arith.constant 0 : i32
      %add3A_154 = arith.addi %mul3A_152, %add3A_153 : i32
      %dma_wait3A_155 = arith.constant 0 : i32
      %dma_wait3A_156 = arith.constant 0 : i32
      %dma_wait3A_157 = tpu.memref_slice %arg5[%dma_wait3A_155, %dma_wait3A_156] : memref<50x128xi32, #tpu.memory_space<vmem>> -> memref<1x128xi32, #tpu.memory_space<vmem>>
      %dma_wait3A_158 = tpu.memref_squeeze %dma_wait3A_157 : memref<1x128xi32, #tpu.memory_space<vmem>> -> memref<128xi32, #tpu.memory_space<vmem>>
      %dma_wait3A_159 = arith.constant 0 : i32
      %dma_wait3A_160 = arith.constant 0 : i32
      %dma_wait3A_161 = tpu.memref_slice %arg2[%dma_wait3A_159, %dma_wait3A_160] : memref<100000x128xf32, #tpu.memory_space<hbm>> -> memref<100000x128xf32, #tpu.memory_space<hbm>>
      tpu.wait_indirect_dma semaphore(%arg10 : memref<!tpu.dma_semaphore, #tpu.memory_space<semaphore_mem>>) src(%dma_wait3A_161 : memref<100000x128xf32, #tpu.memory_space<hbm>>) dst(%arg6 : memref<128x128xf32, #tpu.memory_space<vmem>>)
      %mul3A_162 = arith.constant 128 : i32
      %mul3A_163 = arith.muli %add3A_154, %mul3A_162 : i32
      %add3A_164 = arith.addi %mul3A_2, %mul3A_163 : i32
      %dma_start3A_165 = arith.constant 0 : i32
      %dma_start3A_166 = tpu.memref_slice %arg4[%add3A_164, %dma_start3A_165] : memref<204800x128xf32, #tpu.memory_space<hbm>> -> memref<128x128xf32, #tpu.memory_space<hbm>>
      %dma_start3A_167 = arith.constant 0 : i32
      %dma_start3A_168 = tpu.memref_slice %arg4[%add3A_164, %dma_start3A_167] : memref<204800x128xf32, #tpu.memory_space<hbm>> -> memref<128x128xf32, #tpu.memory_space<hbm>>
      tpu.enqueue_dma source(%arg6 : memref<128x128xf32, #tpu.memory_space<vmem>>) target(%dma_start3A_168 : memref<128x128xf32, #tpu.memory_space<hbm>>) target_semaphore(%arg14 : memref<!tpu.dma_semaphore, #tpu.memory_space<semaphore_mem>>)
      %dma_wait3A_169 = arith.constant 0 : i32
      %dma_wait3A_170 = tpu.memref_slice %arg4[%mul3A_2, %dma_wait3A_169] : memref<204800x128xf32, #tpu.memory_space<hbm>> -> memref<128x128xf32, #tpu.memory_space<hbm>>
      %dma_wait3A_171 = arith.constant 0 : i32
      %dma_wait3A_172 = tpu.memref_slice %arg4[%mul3A_2, %dma_wait3A_171] : memref<204800x128xf32, #tpu.memory_space<hbm>> -> memref<128x128xf32, #tpu.memory_space<hbm>>
      tpu.wait_dma2 semaphore(%arg16 : memref<!tpu.dma_semaphore, #tpu.memory_space<semaphore_mem>>) src(%arg8 : memref<128x128xf32, #tpu.memory_space<vmem>>) dst(%dma_wait3A_172 : memref<128x128xf32, #tpu.memory_space<hbm>>)
      %add3A_173 = arith.constant 2 : i32
      %add3A_174 = arith.addi %add3A_154, %add3A_173 : i32
      %dma_start3A_175 = arith.constant 0 : i32
      %dma_start3A_176 = tpu.memref_slice %arg5[%add3A_174, %dma_start3A_175] : memref<50x128xi32, #tpu.memory_space<vmem>> -> memref<1x128xi32, #tpu.memory_space<vmem>>
      %dma_start3A_177 = tpu.memref_squeeze %dma_start3A_176 : memref<1x128xi32, #tpu.memory_space<vmem>> -> memref<128xi32, #tpu.memory_space<vmem>>
      %dma_start3A_178 = arith.constant 0 : i32
      %dma_start3A_179 = arith.constant 0 : i32
      %dma_start3A_180 = tpu.memref_slice %arg2[%dma_start3A_178, %dma_start3A_179] : memref<100000x128xf32, #tpu.memory_space<hbm>> -> memref<100000x128xf32, #tpu.memory_space<hbm>>
      tpu.enqueue_indirect_dma source(%dma_start3A_180 : memref<100000x128xf32, #tpu.memory_space<hbm>>) target(%arg8 : memref<128x128xf32, #tpu.memory_space<vmem>>) offsets(%dma_start3A_177 : memref<128xi32, #tpu.memory_space<vmem>>) semaphore(%arg12 : memref<!tpu.dma_semaphore, #tpu.memory_space<semaphore_mem>>)
      %mul3A_181 = arith.constant 4 : i32
      %mul3A_182 = arith.muli %mul3A_181, %scan3A_150 : i32
      %add3A_183 = arith.constant 1 : i32
      %add3A_184 = arith.addi %mul3A_182, %add3A_183 : i32
      %dma_wait3A_185 = arith.constant 0 : i32
      %dma_wait3A_186 = arith.constant 0 : i32
      %dma_wait3A_187 = tpu.memref_slice %arg5[%dma_wait3A_185, %dma_wait3A_186] : memref<50x128xi32, #tpu.memory_space<vmem>> -> memref<1x128xi32, #tpu.memory_space<vmem>>
      %dma_wait3A_188 = tpu.memref_squeeze %dma_wait3A_187 : memref<1x128xi32, #tpu.memory_space<vmem>> -> memref<128xi32, #tpu.memory_space<vmem>>
      %dma_wait3A_189 = arith.constant 0 : i32
      %dma_wait3A_190 = arith.constant 0 : i32
      %dma_wait3A_191 = tpu.memref_slice %arg2[%dma_wait3A_189, %dma_wait3A_190] : memref<100000x128xf32, #tpu.memory_space<hbm>> -> memref<100000x128xf32, #tpu.memory_space<hbm>>
      tpu.wait_indirect_dma semaphore(%arg11 : memref<!tpu.dma_semaphore, #tpu.memory_space<semaphore_mem>>) src(%dma_wait3A_191 : memref<100000x128xf32, #tpu.memory_space<hbm>>) dst(%arg7 : memref<128x128xf32, #tpu.memory_space<vmem>>)
      %mul3A_192 = arith.constant 128 : i32
      %mul3A_193 = arith.muli %add3A_184, %mul3A_192 : i32
      %add3A_194 = arith.addi %mul3A_2, %mul3A_193 : i32
      %dma_start3A_195 = arith.constant 0 : i32
      %dma_start3A_196 = tpu.memref_slice %arg4[%add3A_194, %dma_start3A_195] : memref<204800x128xf32, #tpu.memory_space<hbm>> -> memref<128x128xf32, #tpu.memory_space<hbm>>
      %dma_start3A_197 = arith.constant 0 : i32
      %dma_start3A_198 = tpu.memref_slice %arg4[%add3A_194, %dma_start3A_197] : memref<204800x128xf32, #tpu.memory_space<hbm>> -> memref<128x128xf32, #tpu.memory_space<hbm>>
      tpu.enqueue_dma source(%arg7 : memref<128x128xf32, #tpu.memory_space<vmem>>) target(%dma_start3A_198 : memref<128x128xf32, #tpu.memory_space<hbm>>) target_semaphore(%arg15 : memref<!tpu.dma_semaphore, #tpu.memory_space<semaphore_mem>>)
      %dma_wait3A_199 = arith.constant 0 : i32
      %dma_wait3A_200 = tpu.memref_slice %arg4[%mul3A_2, %dma_wait3A_199] : memref<204800x128xf32, #tpu.memory_space<hbm>> -> memref<128x128xf32, #tpu.memory_space<hbm>>
      %dma_wait3A_201 = arith.constant 0 : i32
      %dma_wait3A_202 = tpu.memref_slice %arg4[%mul3A_2, %dma_wait3A_201] : memref<204800x128xf32, #tpu.memory_space<hbm>> -> memref<128x128xf32, #tpu.memory_space<hbm>>
      tpu.wait_dma2 semaphore(%arg17 : memref<!tpu.dma_semaphore, #tpu.memory_space<semaphore_mem>>) src(%arg9 : memref<128x128xf32, #tpu.memory_space<vmem>>) dst(%dma_wait3A_202 : memref<128x128xf32, #tpu.memory_space<hbm>>)
      %add3A_203 = arith.constant 2 : i32
      %add3A_204 = arith.addi %add3A_184, %add3A_203 : i32
      %dma_start3A_205 = arith.constant 0 : i32
      %dma_start3A_206 = tpu.memref_slice %arg5[%add3A_204, %dma_start3A_205] : memref<50x128xi32, #tpu.memory_space<vmem>> -> memref<1x128xi32, #tpu.memory_space<vmem>>
      %dma_start3A_207 = tpu.memref_squeeze %dma_start3A_206 : memref<1x128xi32, #tpu.memory_space<vmem>> -> memref<128xi32, #tpu.memory_space<vmem>>
      %dma_start3A_208 = arith.constant 0 : i32
      %dma_start3A_209 = arith.constant 0 : i32
      %dma_start3A_210 = tpu.memref_slice %arg2[%dma_start3A_208, %dma_start3A_209] : memref<100000x128xf32, #tpu.memory_space<hbm>> -> memref<100000x128xf32, #tpu.memory_space<hbm>>
      tpu.enqueue_indirect_dma source(%dma_start3A_210 : memref<100000x128xf32, #tpu.memory_space<hbm>>) target(%arg9 : memref<128x128xf32, #tpu.memory_space<vmem>>) offsets(%dma_start3A_207 : memref<128xi32, #tpu.memory_space<vmem>>) semaphore(%arg13 : memref<!tpu.dma_semaphore, #tpu.memory_space<semaphore_mem>>)
      %mul3A_211 = arith.constant 4 : i32
      %mul3A_212 = arith.muli %mul3A_211, %scan3A_150 : i32
      %add3A_213 = arith.constant 2 : i32
      %add3A_214 = arith.addi %mul3A_212, %add3A_213 : i32
      %dma_wait3A_215 = arith.constant 0 : i32
      %dma_wait3A_216 = arith.constant 0 : i32
      %dma_wait3A_217 = tpu.memref_slice %arg5[%dma_wait3A_215, %dma_wait3A_216] : memref<50x128xi32, #tpu.memory_space<vmem>> -> memref<1x128xi32, #tpu.memory_space<vmem>>
      %dma_wait3A_218 = tpu.memref_squeeze %dma_wait3A_217 : memref<1x128xi32, #tpu.memory_space<vmem>> -> memref<128xi32, #tpu.memory_space<vmem>>
      %dma_wait3A_219 = arith.constant 0 : i32
      %dma_wait3A_220 = arith.constant 0 : i32
      %dma_wait3A_221 = tpu.memref_slice %arg2[%dma_wait3A_219, %dma_wait3A_220] : memref<100000x128xf32, #tpu.memory_space<hbm>> -> memref<100000x128xf32, #tpu.memory_space<hbm>>
      tpu.wait_indirect_dma semaphore(%arg12 : memref<!tpu.dma_semaphore, #tpu.memory_space<semaphore_mem>>) src(%dma_wait3A_221 : memref<100000x128xf32, #tpu.memory_space<hbm>>) dst(%arg8 : memref<128x128xf32, #tpu.memory_space<vmem>>)
      %mul3A_222 = arith.constant 128 : i32
      %mul3A_223 = arith.muli %add3A_214, %mul3A_222 : i32
      %add3A_224 = arith.addi %mul3A_2, %mul3A_223 : i32
      %dma_start3A_225 = arith.constant 0 : i32
      %dma_start3A_226 = tpu.memref_slice %arg4[%add3A_224, %dma_start3A_225] : memref<204800x128xf32, #tpu.memory_space<hbm>> -> memref<128x128xf32, #tpu.memory_space<hbm>>
      %dma_start3A_227 = arith.constant 0 : i32
      %dma_start3A_228 = tpu.memref_slice %arg4[%add3A_224, %dma_start3A_227] : memref<204800x128xf32, #tpu.memory_space<hbm>> -> memref<128x128xf32, #tpu.memory_space<hbm>>
      tpu.enqueue_dma source(%arg8 : memref<128x128xf32, #tpu.memory_space<vmem>>) target(%dma_start3A_228 : memref<128x128xf32, #tpu.memory_space<hbm>>) target_semaphore(%arg16 : memref<!tpu.dma_semaphore, #tpu.memory_space<semaphore_mem>>)
      %dma_wait3A_229 = arith.constant 0 : i32
      %dma_wait3A_230 = tpu.memref_slice %arg4[%mul3A_2, %dma_wait3A_229] : memref<204800x128xf32, #tpu.memory_space<hbm>> -> memref<128x128xf32, #tpu.memory_space<hbm>>
      %dma_wait3A_231 = arith.constant 0 : i32
      %dma_wait3A_232 = tpu.memref_slice %arg4[%mul3A_2, %dma_wait3A_231] : memref<204800x128xf32, #tpu.memory_space<hbm>> -> memref<128x128xf32, #tpu.memory_space<hbm>>
      tpu.wait_dma2 semaphore(%arg14 : memref<!tpu.dma_semaphore, #tpu.memory_space<semaphore_mem>>) src(%arg6 : memref<128x128xf32, #tpu.memory_space<vmem>>) dst(%dma_wait3A_232 : memref<128x128xf32, #tpu.memory_space<hbm>>)
      %add3A_233 = arith.constant 2 : i32
      %add3A_234 = arith.addi %add3A_214, %add3A_233 : i32
      %dma_start3A_235 = arith.constant 0 : i32
      %dma_start3A_236 = tpu.memref_slice %arg5[%add3A_234, %dma_start3A_235] : memref<50x128xi32, #tpu.memory_space<vmem>> -> memref<1x128xi32, #tpu.memory_space<vmem>>
      %dma_start3A_237 = tpu.memref_squeeze %dma_start3A_236 : memref<1x128xi32, #tpu.memory_space<vmem>> -> memref<128xi32, #tpu.memory_space<vmem>>
      %dma_start3A_238 = arith.constant 0 : i32
      %dma_start3A_239 = arith.constant 0 : i32
      %dma_start3A_240 = tpu.memref_slice %arg2[%dma_start3A_238, %dma_start3A_239] : memref<100000x128xf32, #tpu.memory_space<hbm>> -> memref<100000x128xf32, #tpu.memory_space<hbm>>
      tpu.enqueue_indirect_dma source(%dma_start3A_240 : memref<100000x128xf32, #tpu.memory_space<hbm>>) target(%arg6 : memref<128x128xf32, #tpu.memory_space<vmem>>) offsets(%dma_start3A_237 : memref<128xi32, #tpu.memory_space<vmem>>) semaphore(%arg10 : memref<!tpu.dma_semaphore, #tpu.memory_space<semaphore_mem>>)
      %mul3A_241 = arith.constant 4 : i32
      %mul3A_242 = arith.muli %mul3A_241, %scan3A_150 : i32
      %add3A_243 = arith.constant 3 : i32
      %add3A_244 = arith.addi %mul3A_242, %add3A_243 : i32
      %dma_wait3A_245 = arith.constant 0 : i32
      %dma_wait3A_246 = arith.constant 0 : i32
      %dma_wait3A_247 = tpu.memref_slice %arg5[%dma_wait3A_245, %dma_wait3A_246] : memref<50x128xi32, #tpu.memory_space<vmem>> -> memref<1x128xi32, #tpu.memory_space<vmem>>
      %dma_wait3A_248 = tpu.memref_squeeze %dma_wait3A_247 : memref<1x128xi32, #tpu.memory_space<vmem>> -> memref<128xi32, #tpu.memory_space<vmem>>
      %dma_wait3A_249 = arith.constant 0 : i32
      %dma_wait3A_250 = arith.constant 0 : i32
      %dma_wait3A_251 = tpu.memref_slice %arg2[%dma_wait3A_249, %dma_wait3A_250] : memref<100000x128xf32, #tpu.memory_space<hbm>> -> memref<100000x128xf32, #tpu.memory_space<hbm>>
      tpu.wait_indirect_dma semaphore(%arg13 : memref<!tpu.dma_semaphore, #tpu.memory_space<semaphore_mem>>) src(%dma_wait3A_251 : memref<100000x128xf32, #tpu.memory_space<hbm>>) dst(%arg9 : memref<128x128xf32, #tpu.memory_space<vmem>>)
      %mul3A_252 = arith.constant 128 : i32
      %mul3A_253 = arith.muli %add3A_244, %mul3A_252 : i32
      %add3A_254 = arith.addi %mul3A_2, %mul3A_253 : i32
      %dma_start3A_255 = arith.constant 0 : i32
      %dma_start3A_256 = tpu.memref_slice %arg4[%add3A_254, %dma_start3A_255] : memref<204800x128xf32, #tpu.memory_space<hbm>> -> memref<128x128xf32, #tpu.memory_space<hbm>>
      %dma_start3A_257 = arith.constant 0 : i32
      %dma_start3A_258 = tpu.memref_slice %arg4[%add3A_254, %dma_start3A_257] : memref<204800x128xf32, #tpu.memory_space<hbm>> -> memref<128x128xf32, #tpu.memory_space<hbm>>
      tpu.enqueue_dma source(%arg9 : memref<128x128xf32, #tpu.memory_space<vmem>>) target(%dma_start3A_258 : memref<128x128xf32, #tpu.memory_space<hbm>>) target_semaphore(%arg17 : memref<!tpu.dma_semaphore, #tpu.memory_space<semaphore_mem>>)
      %dma_wait3A_259 = arith.constant 0 : i32
      %dma_wait3A_260 = tpu.memref_slice %arg4[%mul3A_2, %dma_wait3A_259] : memref<204800x128xf32, #tpu.memory_space<hbm>> -> memref<128x128xf32, #tpu.memory_space<hbm>>
      %dma_wait3A_261 = arith.constant 0 : i32
      %dma_wait3A_262 = tpu.memref_slice %arg4[%mul3A_2, %dma_wait3A_261] : memref<204800x128xf32, #tpu.memory_space<hbm>> -> memref<128x128xf32, #tpu.memory_space<hbm>>
      tpu.wait_dma2 semaphore(%arg15 : memref<!tpu.dma_semaphore, #tpu.memory_space<semaphore_mem>>) src(%arg7 : memref<128x128xf32, #tpu.memory_space<vmem>>) dst(%dma_wait3A_262 : memref<128x128xf32, #tpu.memory_space<hbm>>)
      %add3A_263 = arith.constant 2 : i32
      %add3A_264 = arith.addi %add3A_244, %add3A_263 : i32
      %dma_start3A_265 = arith.constant 0 : i32
      %dma_start3A_266 = tpu.memref_slice %arg5[%add3A_264, %dma_start3A_265] : memref<50x128xi32, #tpu.memory_space<vmem>> -> memref<1x128xi32, #tpu.memory_space<vmem>>
      %dma_start3A_267 = tpu.memref_squeeze %dma_start3A_266 : memref<1x128xi32, #tpu.memory_space<vmem>> -> memref<128xi32, #tpu.memory_space<vmem>>
      %dma_start3A_268 = arith.constant 0 : i32
      %dma_start3A_269 = arith.constant 0 : i32
      %dma_start3A_270 = tpu.memref_slice %arg2[%dma_start3A_268, %dma_start3A_269] : memref<100000x128xf32, #tpu.memory_space<hbm>> -> memref<100000x128xf32, #tpu.memory_space<hbm>>
      tpu.enqueue_indirect_dma source(%dma_start3A_270 : memref<100000x128xf32, #tpu.memory_space<hbm>>) target(%arg7 : memref<128x128xf32, #tpu.memory_space<vmem>>) offsets(%dma_start3A_267 : memref<128xi32, #tpu.memory_space<vmem>>) semaphore(%arg11 : memref<!tpu.dma_semaphore, #tpu.memory_space<semaphore_mem>>)
    }
    %scan3A_107 = arith.constant 11 : i32
    %dma_wait3A_108 = arith.constant 0 : i32
    %dma_wait3A_109 = arith.constant 0 : i32
    %dma_wait3A_110 = tpu.memref_slice %arg5[%dma_wait3A_108, %dma_wait3A_109] : memref<50x128xi32, #tpu.memory_space<vmem>> -> memref<1x128xi32, #tpu.memory_space<vmem>>
    %dma_wait3A_111 = tpu.memref_squeeze %dma_wait3A_110 : memref<1x128xi32, #tpu.memory_space<vmem>> -> memref<128xi32, #tpu.memory_space<vmem>>
    %dma_wait3A_112 = arith.constant 0 : i32
    %dma_wait3A_113 = arith.constant 0 : i32
    %dma_wait3A_114 = tpu.memref_slice %arg2[%dma_wait3A_112, %dma_wait3A_113] : memref<100000x128xf32, #tpu.memory_space<hbm>> -> memref<100000x128xf32, #tpu.memory_space<hbm>>
    tpu.wait_indirect_dma semaphore(%arg10 : memref<!tpu.dma_semaphore, #tpu.memory_space<semaphore_mem>>) src(%dma_wait3A_114 : memref<100000x128xf32, #tpu.memory_space<hbm>>) dst(%arg6 : memref<128x128xf32, #tpu.memory_space<vmem>>)
    %add3A_115 = arith.constant 6144 : i32
    %add3A_116 = arith.addi %mul3A_2, %add3A_115 : i32
    %dma_start3A_117 = arith.constant 0 : i32
    %dma_start3A_118 = tpu.memref_slice %arg4[%add3A_116, %dma_start3A_117] : memref<204800x128xf32, #tpu.memory_space<hbm>> -> memref<128x128xf32, #tpu.memory_space<hbm>>
    %dma_start3A_119 = arith.constant 0 : i32
    %dma_start3A_120 = tpu.memref_slice %arg4[%add3A_116, %dma_start3A_119] : memref<204800x128xf32, #tpu.memory_space<hbm>> -> memref<128x128xf32, #tpu.memory_space<hbm>>
    tpu.enqueue_dma source(%arg6 : memref<128x128xf32, #tpu.memory_space<vmem>>) target(%dma_start3A_120 : memref<128x128xf32, #tpu.memory_space<hbm>>) target_semaphore(%arg14 : memref<!tpu.dma_semaphore, #tpu.memory_space<semaphore_mem>>)
    %dma_wait3A_121 = arith.constant 0 : i32
    %dma_wait3A_122 = arith.constant 0 : i32
    %dma_wait3A_123 = tpu.memref_slice %arg5[%dma_wait3A_121, %dma_wait3A_122] : memref<50x128xi32, #tpu.memory_space<vmem>> -> memref<1x128xi32, #tpu.memory_space<vmem>>
    %dma_wait3A_124 = tpu.memref_squeeze %dma_wait3A_123 : memref<1x128xi32, #tpu.memory_space<vmem>> -> memref<128xi32, #tpu.memory_space<vmem>>
    %dma_wait3A_125 = arith.constant 0 : i32
    %dma_wait3A_126 = arith.constant 0 : i32
    %dma_wait3A_127 = tpu.memref_slice %arg2[%dma_wait3A_125, %dma_wait3A_126] : memref<100000x128xf32, #tpu.memory_space<hbm>> -> memref<100000x128xf32, #tpu.memory_space<hbm>>
    tpu.wait_indirect_dma semaphore(%arg11 : memref<!tpu.dma_semaphore, #tpu.memory_space<semaphore_mem>>) src(%dma_wait3A_127 : memref<100000x128xf32, #tpu.memory_space<hbm>>) dst(%arg7 : memref<128x128xf32, #tpu.memory_space<vmem>>)
    %add3A_128 = arith.constant 6272 : i32
    %add3A_129 = arith.addi %mul3A_2, %add3A_128 : i32
    %dma_start3A_130 = arith.constant 0 : i32
    %dma_start3A_131 = tpu.memref_slice %arg4[%add3A_129, %dma_start3A_130] : memref<204800x128xf32, #tpu.memory_space<hbm>> -> memref<128x128xf32, #tpu.memory_space<hbm>>
    %dma_start3A_132 = arith.constant 0 : i32
    %dma_start3A_133 = tpu.memref_slice %arg4[%add3A_129, %dma_start3A_132] : memref<204800x128xf32, #tpu.memory_space<hbm>> -> memref<128x128xf32, #tpu.memory_space<hbm>>
    tpu.enqueue_dma source(%arg7 : memref<128x128xf32, #tpu.memory_space<vmem>>) target(%dma_start3A_133 : memref<128x128xf32, #tpu.memory_space<hbm>>) target_semaphore(%arg15 : memref<!tpu.dma_semaphore, #tpu.memory_space<semaphore_mem>>)
    %dma_wait3A_134 = arith.constant 0 : i32
    %dma_wait3A_135 = tpu.memref_slice %arg4[%mul3A_2, %dma_wait3A_134] : memref<204800x128xf32, #tpu.memory_space<hbm>> -> memref<128x128xf32, #tpu.memory_space<hbm>>
    %dma_wait3A_136 = arith.constant 0 : i32
    %dma_wait3A_137 = tpu.memref_slice %arg4[%mul3A_2, %dma_wait3A_136] : memref<204800x128xf32, #tpu.memory_space<hbm>> -> memref<128x128xf32, #tpu.memory_space<hbm>>
    tpu.wait_dma2 semaphore(%arg16 : memref<!tpu.dma_semaphore, #tpu.memory_space<semaphore_mem>>) src(%arg8 : memref<128x128xf32, #tpu.memory_space<vmem>>) dst(%dma_wait3A_137 : memref<128x128xf32, #tpu.memory_space<hbm>>)
    %dma_wait3A_138 = arith.constant 0 : i32
    %dma_wait3A_139 = tpu.memref_slice %arg4[%mul3A_2, %dma_wait3A_138] : memref<204800x128xf32, #tpu.memory_space<hbm>> -> memref<128x128xf32, #tpu.memory_space<hbm>>
    %dma_wait3A_140 = arith.constant 0 : i32
    %dma_wait3A_141 = tpu.memref_slice %arg4[%mul3A_2, %dma_wait3A_140] : memref<204800x128xf32, #tpu.memory_space<hbm>> -> memref<128x128xf32, #tpu.memory_space<hbm>>
    tpu.wait_dma2 semaphore(%arg17 : memref<!tpu.dma_semaphore, #tpu.memory_space<semaphore_mem>>) src(%arg9 : memref<128x128xf32, #tpu.memory_space<vmem>>) dst(%dma_wait3A_141 : memref<128x128xf32, #tpu.memory_space<hbm>>)
    %dma_wait3A_142 = arith.constant 0 : i32
    %dma_wait3A_143 = tpu.memref_slice %arg4[%mul3A_2, %dma_wait3A_142] : memref<204800x128xf32, #tpu.memory_space<hbm>> -> memref<128x128xf32, #tpu.memory_space<hbm>>
    %dma_wait3A_144 = arith.constant 0 : i32
    %dma_wait3A_145 = tpu.memref_slice %arg4[%mul3A_2, %dma_wait3A_144] : memref<204800x128xf32, #tpu.memory_space<hbm>> -> memref<128x128xf32, #tpu.memory_space<hbm>>
    tpu.wait_dma2 semaphore(%arg14 : memref<!tpu.dma_semaphore, #tpu.memory_space<semaphore_mem>>) src(%arg6 : memref<128x128xf32, #tpu.memory_space<vmem>>) dst(%dma_wait3A_145 : memref<128x128xf32, #tpu.memory_space<hbm>>)
    %dma_wait3A_146 = arith.constant 0 : i32
    %dma_wait3A_147 = tpu.memref_slice %arg4[%mul3A_2, %dma_wait3A_146] : memref<204800x128xf32, #tpu.memory_space<hbm>> -> memref<128x128xf32, #tpu.memory_space<hbm>>
    %dma_wait3A_148 = arith.constant 0 : i32
    %dma_wait3A_149 = tpu.memref_slice %arg4[%mul3A_2, %dma_wait3A_148] : memref<204800x128xf32, #tpu.memory_space<hbm>> -> memref<128x128xf32, #tpu.memory_space<hbm>>
    tpu.wait_dma2 semaphore(%arg15 : memref<!tpu.dma_semaphore, #tpu.memory_space<semaphore_mem>>) src(%arg7 : memref<128x128xf32, #tpu.memory_space<vmem>>) dst(%dma_wait3A_149 : memref<128x128xf32, #tpu.memory_space<hbm>>)
    return
  }
}

module attributes {stable_mosaic.version = 14 : i64} {
  func.func @body(%arg0: i32, %arg1: memref<32x200x128xf32, #tpu.memory_space<vmem>>, %arg2: memref<200x128xf32, #tpu.memory_space<vmem>>, %arg3: memref<1x128xf32, #tpu.memory_space<vmem>>, %arg4: memref<512x128xf32, #tpu.memory_space<vmem>>, %arg5: memref<1x512xf32, #tpu.memory_space<vmem>>, %arg6: memref<32x200x512xf32, #tpu.memory_space<vmem>>) attributes {dimension_semantics = [#tpu.dimension_semantics<arbitrary>], iteration_bounds = array<i64: 32>, scalar_prefetch = 0 : i64, scratch_operands = 0 : i64, tpu.core_type = #tpu.core_type<tc>, window_params = [{transform_indices = @transform_0, window_bounds = array<i64: 32, 200, 128>}, {pipeline_mode = #tpu.pipeline_mode<synchronous>, transform_indices = @transform_1, window_bounds = array<i64: 200, 128>}, {pipeline_mode = #tpu.pipeline_mode<synchronous>, transform_indices = @transform_2, window_bounds = array<i64: 1, 128>}, {pipeline_mode = #tpu.pipeline_mode<synchronous>, transform_indices = @transform_3, window_bounds = array<i64: 512, 128>}, {pipeline_mode = #tpu.pipeline_mode<synchronous>, transform_indices = @transform_4, window_bounds = array<i64: 1, 512>}, {transform_indices = @transform_5, window_bounds = array<i64: 32, 200, 512>}]} {
    %get3A = arith.constant 0 : index
    %get3A_0 = arith.constant 0 : index
    %get3A_1 = vector.load %arg2[%get3A, %get3A_0] : memref<200x128xf32, #tpu.memory_space<vmem>>, vector<200x128xf32>
    %get3A_2 = arith.constant 0 : index
    %get3A_3 = arith.constant 0 : index
    %get3A_4 = vector.load %arg3[%get3A_2, %get3A_3] : memref<1x128xf32, #tpu.memory_space<vmem>>, vector<1x128xf32>
    %add3A = vector.broadcast %get3A_4 : vector<1x128xf32> to vector<200x128xf32>
    %add3A_5 = arith.addf %get3A_1, %add3A : vector<200x128xf32>
    %get3A_6 = arith.constant 0 : index
    %get3A_7 = arith.constant 0 : index
    %get3A_8 = arith.constant 0 : index
    %get3A_9 = vector.load %arg1[%get3A_6, %get3A_7, %get3A_8] : memref<32x200x128xf32, #tpu.memory_space<vmem>>, vector<32x200x128xf32>
    %broadcast_in_dim3A = vector.shape_cast %add3A_5 : vector<200x128xf32> to vector<1x200x128xf32>
    %add3A_10 = vector.broadcast %broadcast_in_dim3A : vector<1x200x128xf32> to vector<32x200x128xf32>
    %add3A_11 = arith.addf %get3A_9, %add3A_10 : vector<32x200x128xf32>
    %reshape3A = vector.shape_cast %add3A_11 : vector<32x200x128xf32> to vector<6400x128xf32>
    %convert_element_type3A = arith.truncf %reshape3A : vector<6400x128xf32> to vector<6400x128xbf16>
    %get3A_12 = arith.constant 0 : index
    %get3A_13 = arith.constant 0 : index
    %get3A_14 = vector.load %arg4[%get3A_12, %get3A_13] : memref<512x128xf32, #tpu.memory_space<vmem>>, vector<512x128xf32>
    %convert_element_type3A_15 = arith.truncf %get3A_14 : vector<512x128xf32> to vector<512x128xbf16>
    %dot_general3A = arith.constant dense<0.000000e+00> : vector<6400x512xf32>
    %dot_general3A_16 = tpu.matmul %convert_element_type3A, %convert_element_type3A_15, %dot_general3A {dimension_numbers = #tpu.dot_dimension_numbers<[1], [1], [0], [0], [0, 0, 1, 0], [], []>, transpose_lhs_hint = false} : vector<6400x128xbf16>, vector<512x128xbf16>, vector<6400x512xf32> -> vector<6400x512xf32>
    %get3A_17 = arith.constant 0 : index
    %get3A_18 = arith.constant 0 : index
    %get3A_19 = vector.load %arg5[%get3A_17, %get3A_18] : memref<1x512xf32, #tpu.memory_space<vmem>>, vector<1x512xf32>
    %add3A_20 = vector.broadcast %get3A_19 : vector<1x512xf32> to vector<6400x512xf32>
    %add3A_21 = arith.addf %dot_general3A_16, %add3A_20 : vector<6400x512xf32>
    %reshape3A_22 = vector.shape_cast %add3A_21 : vector<6400x512xf32> to vector<32x200x512xf32>
    %swap3A = arith.constant 0 : index
    %swap3A_23 = arith.constant 0 : index
    %swap3A_24 = arith.constant 0 : index
    %swap3A_25 = vector.load %arg6[%swap3A, %swap3A_23, %swap3A_24] : memref<32x200x512xf32, #tpu.memory_space<vmem>>, vector<32x200x512xf32>
    tpu.vector_store %arg6[%swap3A, %swap3A_23, %swap3A_24], %reshape3A_22 {strides = array<i32>} : memref<32x200x512xf32, #tpu.memory_space<vmem>>, vector<32x200x512xf32>,
    return
  }
  func.func @transform_0(%arg0: i32) -> (i32, i32, i32) {
    %c0_i32 = arith.constant 0 : i32
    %c0_i32_0 = arith.constant 0 : i32
    %c0_i32_1 = arith.constant 0 : i32
    return %arg0, %c0_i32, %c0_i32_0 : i32, i32, i32
  }
  func.func @transform_1(%arg0: i32) -> (i32, i32) {
    %c0_i32 = arith.constant 0 : i32
    %c0_i32_0 = arith.constant 0 : i32
    %c0_i32_1 = arith.constant 0 : i32
    return %c0_i32, %c0_i32_0 : i32, i32
  }
  func.func @transform_2(%arg0: i32) -> (i32, i32) {
    %c0_i32 = arith.constant 0 : i32
    %c0_i32_0 = arith.constant 0 : i32
    %c0_i32_1 = arith.constant 0 : i32
    return %c0_i32, %c0_i32_0 : i32, i32
  }
  func.func @transform_3(%arg0: i32) -> (i32, i32) {
    %c0_i32 = arith.constant 0 : i32
    %c0_i32_0 = arith.constant 0 : i32
    %c0_i32_1 = arith.constant 0 : i32
    return %c0_i32, %c0_i32_0 : i32, i32
  }
  func.func @transform_4(%arg0: i32) -> (i32, i32) {
    %c0_i32 = arith.constant 0 : i32
    %c0_i32_0 = arith.constant 0 : i32
    %c0_i32_1 = arith.constant 0 : i32
    return %c0_i32, %c0_i32_0 : i32, i32
  }
  func.func @transform_5(%arg0: i32) -> (i32, i32, i32) {
    %c0_i32 = arith.constant 0 : i32
    %c0_i32_0 = arith.constant 0 : i32
    %c0_i32_1 = arith.constant 0 : i32
    return %arg0, %c0_i32, %c0_i32_0 : i32, i32, i32
  }
}

</mosaic_0001>

<sc_bundles>
// kernel: kernel.4.cloned.1.call-start
scs
__scs_entry_jumppad:
0x0: {  	(pc) =	sbr.rel $0x88, $3  }
0x1: {  	(tag) =	ssettag $0x0;
	lr =	simm.s32 $0x1  }
0x2: {  	[smem:$0x3F9B] =	sst lr;
	_ =	strace $0xD0000000  }
0x3: {  	_ = 	snop  }
0x4: {  	_ = 	snop  }
0x5: {  	_ = 	snop  }
0x6: {  	_ = 	snop  }
0x7: {  	_ = 	snop  }
__scs_overlays_trampoline_lowered:
0x8: {  	[smem:$0x3FAA] =	sst s0  }
0x9: {  	[smem:$0x3FAB] =	sst s1  }
0xa: {  	[smem:$0x3FAC] =	sst s2  }
0xb: {  	[smem:$0x3FAD] =	sst s3  }
0xc: {  	[smem:$0x3FAE] =	sst s4  }
0xd: {  	[smem:$0x3FAF] =	sst s5  }
0xe: {  	[smem:$0x3FB0] =	sst s6  }
0xf: {  	[smem:$0x3FB1] =	sst s7  }
0x10: {  	[smem:$0x3FB2] =	sst s8  }
0x11: {  	[smem:$0x3FB3] =	sst s9;
	s0 =	simm.s32 @!p0 $0x0  }
0x12: {  	s1 =	sld [smem:$0x3F99];
	s0 =	simm.s32 @p0 $0x1  }
0x13: {  	[smem:$0x3FB4] =	sst s0;
	s0 =	simm.s32 @!p1 $0x0  }
0x14: {  	s2 =	sld [smem:$0x3F98];
	s0 =	simm.s32 @p1 $0x1  }
0x15: {  	[smem:$0x3FB5] =	sst s0;
	s0 =	simm.s32 @!p2 $0x0  }
0x16: {  	s3 =	sld [smem:$0x3FDB];
	s0 =	simm.s32 @p2 $0x1  }
0x17: {  	s4 =	simm.s32 $0x1BF5;
	[smem:$0x3FB7] =	sst s0  }
0x18: {  	s0 =	sld [smem:$0x3F9A];
	_ =	swait.ge [sflag:s4], $0x0  }
0x19: {  	s7 =	sld [smem:$0x3F9B]  }
0x1a: {  	s8 =	sadd.s32 $0xFFFFE003, lr  }
0x1b: {  	s9 =	sadd.s32 $0xFFFFFEF7, lr;
	s5 =	simm.s32 $0xFFFFFFFF;
	p2 =	slt.u32 s8, $0xFFFFF086  }
0x1c: {  	p1 =	slt.u32 s9, $0xF7A;
	s5 =	simm.s32 @!p2 $0x0  }
0x1d: {  	s5 =	simm.s32 @p1 $0x1;
	p0 =	seq.s32 s7, s2  }
0x1e: {  	s7 =	smul.u32 @!p0 $0xF7A, s2;
	p2 =	seq.s32 @!p0 s5, $0x0  }
0x1f: {  	s9 =	smul.u32 $0xF7A, s1;
	s8 =	simm.s32 @!p0 $0x1BF5;
	p2 =	por !p2, p0  }
0x20: {  	[sflag:s8] =	ssyncset.s32 @!p0 $0xFFFFF086;
	s6 =	sadd.s32 @!p0 s3, s7;
	s7 =	simm.s32 @!p0 $0x108  }
0x21: {  	s3 =	sadd.s32 s3, s9;
	s6 =	sadd.s32 @!p0 $0x88, s6;
	s7 =	simm.s32 @p2 $0x1082  }
0x22: {  	[simem:s7], [sflag:s8] =	dma.local @!p0 [hbm:s6], $0xF7A  }
0x23: {  	s9 =	sor.u32 $0xD0000000, s2;
	s6 =	simm.s32 $0x108;
	_ =	swait.ge @!p0 [sflag:s8], $0x0  }
0x24: {  	s3 =	sadd.s32 $0x88, s3;
	s6 =	simm.s32 @!p1 $0x1082;
	[sflag:s4] =	ssyncset.s32 $0xFFFFF086  }
0x25: {  	[simem:s6], [sflag:s4] =	dma.local [hbm:s3], $0xF7A  }
0x26: {  	[smem:$0x3F9B] =	sst s1;
	(tag) =	ssettag s2;
	_ =	strace s9  }
0x27: {  	s1 =	sld [smem:$0x3FAB]  }
0x28: {  	s2 =	sld [smem:$0x3FAC]  }
0x29: {  	s4 =	sld [smem:$0x3FAE]  }
0x2a: {  	p0 =	seq.s32 s5, $0x0;
	s5 =	sld [smem:$0x3FAF]  }
0x2b: {  	s6 =	sld [smem:$0x3FB0]  }
0x2c: {  	s7 =	sld [smem:$0x3FB1]  }
0x2d: {  	s3 =	simm.s32 $0x108;
	s8 =	sld [smem:$0x3FB2]  }
0x2e: {  	s3 =	simm.s32 @!p0 $0x1082;
	s9 =	sld [smem:$0x3FB3]  }
0x2f: {  	lr =	sadd.s32 s0, s3;
	s0 =	sld [smem:$0x3FAA]  }
0x30: {  	s3 =	sld [smem:$0x3FAD]  }
0x31: {  	[smem:$0x3FB6] =	sst s10  }
0x32: {  	s10 =	sld [smem:$0x3FB4];
	_ =	sdelay $0x3  }
0x33: {  	p0 =	seq.s32 s10, $0x1;
	s10 =	sld [smem:$0x3FB6];
	_ =	sdelay $0x3  }
0x34: {  	[smem:$0x3FB6] =	sst s10  }
0x35: {  	s10 =	sld [smem:$0x3FB5];
	_ =	sdelay $0x3  }
0x36: {  	p1 =	seq.s32 s10, $0x1;
	s10 =	sld [smem:$0x3FB6];
	_ =	sdelay $0x3  }
0x37: {  	[smem:$0x3FB6] =	sst s10  }
0x38: {  	s10 =	sld [smem:$0x3FB7]  }
0x39: {  	_ = 	snop;
	(pc) =	sbr.ind lr, $3  }
0x3a: {  	_ = 	snop  }
0x3b: {  	_ = 	snop  }
0x3c: {  	p2 =	seq.s32 s10, $0x1;
	s10 =	sld [smem:$0x3FB6]  }
0x3d: {  	_ =	shalt  }
0x3e: {  	_ =	shalt  }
0x3f: {  	_ =	shalt  }
0x40: {  	_ =	shalt  }
0x41: {  	_ =	shalt  }
0x42: {  	_ =	shalt  }
0x43: {  	_ =	shalt  }
0x44: {  	_ =	shalt  }
0x45: {  	_ =	shalt  }
0x46: {  	_ =	shalt  }
0x47: {  	_ =	shalt  }
0x48: {  	_ =	shalt  }
0x49: {  	_ =	shalt  }
0x4a: {  	_ =	shalt  }
0x4b: {  	_ =	shalt  }
0x4c: {  	_ =	shalt  }
0x4d: {  	_ =	shalt  }
0x4e: {  	_ =	shalt  }
0x4f: {  	_ =	shalt  }
0x50: {  	_ =	shalt  }
0x51: {  	_ =	shalt  }
0x52: {  	_ =	shalt  }
0x53: {  	_ =	shalt  }
0x54: {  	_ =	shalt  }
0x55: {  	_ =	shalt  }
0x56: {  	_ =	shalt  }
0x57: {  	_ =	shalt  }
0x58: {  	_ =	shalt  }
0x59: {  	_ =	shalt  }
0x5a: {  	_ =	shalt  }
0x5b: {  	_ =	shalt  }
0x5c: {  	_ =	shalt  }
0x5d: {  	_ =	shalt  }
0x5e: {  	_ =	shalt  }
0x5f: {  	_ =	shalt  }
0x60: {  	_ =	shalt  }
0x61: {  	_ =	shalt  }
0x62: {  	_ =	shalt  }
0x63: {  	_ =	shalt  }
0x64: {  	_ =	shalt  }
0x65: {  	_ =	shalt  }
0x66: {  	_ =	shalt  }
0x67: {  	_ =	shalt  }
0x68: {  	_ =	shalt  }
0x69: {  	_ =	shalt  }
0x6a: {  	_ =	shalt  }
0x6b: {  	_ =	shalt  }
0x6c: {  	_ =	shalt  }
0x6d: {  	_ =	shalt  }
0x6e: {  	_ =	shalt  }
0x6f: {  	_ =	shalt  }
0x70: {  	_ =	shalt  }
0x71: {  	_ =	shalt  }
0x72: {  	_ =	shalt  }
0x73: {  	_ =	shalt  }
0x74: {  	_ =	shalt  }
0x75: {  	_ =	shalt  }
0x76: {  	_ =	shalt  }
0x77: {  	_ =	shalt  }
0x78: {  	_ =	shalt  }
0x79: {  	_ =	shalt  }
0x7a: {  	_ =	shalt  }
0x7b: {  	_ =	shalt  }
0x7c: {  	_ =	shalt  }
0x7d: {  	_ =	shalt  }
0x7e: {  	_ =	shalt  }
0x7f: {  	_ =	shalt  }
0x80: {  	_ =	shalt  }
0x81: {  	_ =	shalt  }
0x82: {  	_ =	shalt  }
0x83: {  	_ =	shalt  }
0x84: {  	_ =	shalt  }
0x85: {  	_ =	shalt  }
0x86: {  	_ =	shalt  }
0x87: {  	_ =	shalt  }
.Lfunc_end0:
.L_simem_size_0:
called_computation_lowered:
.L_overlay_start_0:
0x88: {  	s2 =	sld [smem:$0x3FD9]  }
0x89: {  	s3 =	sld [smem:$0x3FFE];
	_ =	sdelay $0x1  }
0x8a: {  	s1 =	srdreg.scid  }
0x8b: {  	s0 =	sand.u32 $0x1, s1  }
0x8c: {  	s17 =	sshll.u32 s0, $0xA;
	s2 =	sadd.s32 s3, s2  }
0x8d: {  	s2 =	sadd.s32 s2, s17  }
0x8e: {  	[smem:$0x3FC2] =	sst s2  }
0x8f: {  	_ = 	snop  }
0x90: {  	s2 =	sld [smem:$0x3FC8]  }
0x91: {  	s18 =	sld [smem:$0x3FD0];
	(tm) =	ssettm $0x1  }
0x92: {  	s4 =	sld [smem:$0x3FFB];
	_ =	sdelay $0x3  }
0x93: {  	_ =	strace s4  }
0x94: {  	s4 =	sld [smem:$0x3FFC];
	_ =	sdelay $0x3  }
0x95: {  	_ =	strace s4  }
0x96: {  	s4 =	sld [smem:$0x3FFD];
	_ =	sdelay $0x3  }
0x97: {  	_ =	strace s4  }
0x98: {  	_ =	strace $0x8FFFFFFF  }
0x99: {  	s19 =	sld [smem:$0x3FDB];
	_ =	sdelay $0x1  }
0x9a: {  	s5 =	simm.s32 $_scs_section_size  }
0x9b: {  	s6 =	simm.s32 $_size__tile_overlayer_lowered;
	s7 =	simm.s32 $_tile_overlayer_lowered  }
0x9c: {  	s22 =	simm.s32 $0x1BFF;
	s21 =	sshll.u32 s7, $0x1;
	s4 =	sadd.s32 s5, s19  }
0x9d: {  	s8 =	simm.s32 $0x0;
	s20 =	sshll.u32 s6, $0x1;
	s6 =	sadd.s32 s21, s4  }
0x9e: {  	[timem:s8], [sflag:s22] =	dma.local [hbm:s6], s20  }
0x9f: {  	_ =	swait.ge [sflag:s22], s20  }
0xa0: {  	s5 =	ssub.s32 $0x0, s20;
	[sflag:s22] =	ssyncset.done $0x0  }
0xa1: {  	[sflag:s22] =	ssyncadd.s32 s5;
	_ =	sdelay $0x1  }
0xa2: {  	s23 =	simm.s32 $0x1B8B  }
0xa3: {  	_ =	swait.ge [sflag:s23], $0x1  }
0xa4: {  	[sflag:s23] =	ssyncset.done $0x0  }
0xa5: {  	s25 =	simm.s32 $0x1B8E;
	s24 =	sld [smem:$0x3FFE];
	[sflag:s23] =	ssyncadd.s32 $0xFFFFFFFF  }
0xa6: {  	s26 =	simm.s32 $execute0_lowered;
	[smem:$0x3FD2] =	sst s25  }
0xa7: {  	s6 =	sshll.u32 s26, $0x1;
	_ =	strace $0x80000046;
	[dreg:$0x1] =	wrdreg $0xFFFFFFFF  }
0xa8: {  	s28 =	simm.s32 $_size_execute0_lowered;
	s4 =	sadd.s32 s4, s6;
	[dreg:$0x0] =	wrdreg $0x0  }
0xa9: {  	s6 =	sshll.u32 s28, $0x1;
	[dreg:$0x2] =	wrdreg s4  }
0xaa: {  	[dreg:$0x3] =	wrdreg s6  }
0xab: {  	[dreg:$0x4] =	wrdreg $0xC0  }
0xac: {  	_ =	task [dreg:s8], $0x5FFFF  }
0xad: {  	[dreg:$0x1] =	wrdreg $0xFFFFFFFF  }
0xae: {  	[dreg:$0x0] =	wrdreg $0x60  }
0xaf: {  	[dreg:$0x2] =	wrdreg s2  }
0xb0: {  	[dreg:$0x3] =	wrdreg s18  }
0xb1: {  	[dreg:$0x4] =	wrdreg s24  }
0xb2: {  	[dreg:$0x5] =	wrdreg $0x9  }
0xb3: {  	_ =	task.clear_ibuf [dreg:s8], $0x6FFFF;
	_ =	strace $0x90000046  }
0xb4: {  	s29 =	simm.s32 $0x9;
	_ =	strace $0x80000048  }
0xb5: {  	_ =	swait.ge [sflag:s29], $0x1  }
0xb6: {  	[sflag:s29] =	ssyncadd.s32 $0xFFFFFFFF  }
0xb7: {  	_ =	strace $0x90000048  }
0xb8: {  	_ =	sfence  }
0xb9: {  	s30 =	sld [smem:$0x0];
	_ =	sdelay $0x2  }
0xba: {  	s31 =	sshll.u32 s1, $0xD;
	s1 =	sshrl.u32 s1, $0x2  }
0xbb: {  	s3 =	sand.u32 $0x4000, s31;
	s1 =	sadd.s32 s1, s30  }
0xbc: {  	s0 =	sor.u32 s3, s0;
	s1 =	sshll.u32 s1, $0x11  }
0xbd: {  	s0 =	sor.u32 s1, s0  }
0xbe: {  	s0 =	sadd.s32 $0x8F2B, s0  }
0xbf: {  	[sflag:s0] =	ssyncadd.remote.s32 $0x1  }
0xc0: {  	_ =	sfence.sel $0xFFFF  }
0xc1: {  	[dreg:$0x0] =	wrdreg $0xFFFFFFFF;
	(pc) =	sbr.abs _section_cstart, $3  }
0xc2: {  	[dreg:$0x1] =	wrdreg $0xFFFFFFFF  }
0xc3: {  	_ =	task.clear_ibuf [dreg:s8], $0x2FFFF;
	_ =	strace $0x9FFFFFFF  }
0xc4: {  	(tm) =	ssettm $0x7FFFFFFF  }
0xc5: {  	_ =	shalt  }
tec
execute0_lowered:
.L_overlay_start_1:
0x0: {  	(tag) =	ssettag $0x1  }
0x1: {  	s1 =	rddreg [dreg:$0x0]  }
0x2: {  	s0 =	rddreg [dreg:$0x1];
	s2 =	srdreg.scid  }
0x3: {  	s10 =	stileid.u32;
	s4 =	rddreg [dreg:$0x2];
	s3 =	simm.s32 $0x0  }
0x4: {  	s15 =	simm.s32 $0x9;
	s16 =	simm.s32 $0x80;
	s17 =	simm.s32 $0x1C00  }
0x5: {  	s18 =	simm.s32 $0x5C00;
	s19 =	simm.s32 $0x1;
	s21 =	simm.s32 $0x9C00  }
0x6: {  	s22 =	simm.s32 $0x2;
	s24 =	simm.s32 $0xDC00;
	s26 =	smul.u32 $0x190000, s10  }
0x7: {  	s25 =	simm.s32 $0x3;
	s2 =	sand.u32 $0x1, s2;
	s14 =	smul.u32 $0x32000, s10  }
0x8: {  	s29 =	simm.s32 $0x4;
	s5 =	sshll.u32 s10, $0x1;
	s13 =	smul.u32 $0xC8000, s2  }
0x9: {  	s5 =	sor.u32 s2, s5;
	s7 =	ssub.s32 $0x2, s2;
	s2 =	smul.u32 $0x19000, s2  }
0xa: {  	s30 =	simm.s32 $0x6;
	s20 =	simm.s32 $0x0;
	s6 =	smul.u32 $0x380, s5  }
0xb: {  	[smem:$0x7FF] =	sst s3;
	s4 =	sadd.s32 $0xA00, s4;
	s8 =	smul.u32 $0x19000, s5  }
0xc: {  	s9 =	sshrl.u32 s7, $0x1;
	s5 =	smul.u32 $0xC8000, s5;
	s31 =	sadd.s32 s14, s4  }
0xd: {  	_ =	strace $0x80000047;
	s12 =	ssub.s32 s7, s9;
	s2 =	sadd.s32 s2, s31  }
0xe: {  	s0 =	sadd.s32 s0, s6;
	s6 =	sadd.s32 s4, s8;
	s5 =	sshrl.u32 s5, $0x3  }
0xf: {  	s12 =	smax.u32 s12, $0x1;
	s14 =	sadd.s32 $0x2800, s2;
	s2 =	simm.s32 $0x7  }
0x10: {  	[dreg:$0x4] =	wrdreg s0;
	s28 =	sadd.s32 $0x800, s6;
	s5 =	sadd.s32 s4, s5  }
0x11: {  	s0 =	sadd.s32 s13, s26;
	s26 =	simm.s32 $0x5;
	[dreg:$0x5] =	wrdreg s28  }
0x12: {  	s8 =	sadd.s32 $0x1000, s5;
	s9 =	sadd.s32 $0x1800, s5;
	s10 =	sadd.s32 $0x18000, s5  }
0x13: {  	s11 =	sadd.s32 $0x18800, s5;
	s13 =	sadd.s32 $0x10000, s0;
	s0 =	simm.s32 $0x8  }
.LBB2_1:
0x14: {  	s5 =	rddreg [dreg:$0x4]  }
0x15: {  	[tilespmem:s3], [sflag:$0x9] =	stream.linear.gather [hbm4b:s5+s3], $0x1900, $0x38;
	[tilespmem:$0x11C00] =	vst v63  }
0x16: {  	_ =	swait.ge [sflag:s15], $0x1900  }
0x17: {  	[sflag:s15] =	ssyncset.done $0x0  }
0x18: {  	[sflag:s15] =	ssyncadd.s32 $0xFFFFE700  }
0x19: {  	[tilespmem:s17], [sflag:$0x1] =	stream.indirect.gather [hbm4b:s1+s16], $0x80, s3, s16, $0xb8;
	[tilespmem:$0x11C00] =	vst v63  }
0x1a: {  	_ = 	snop  }
0x1b: {  	[tilespmem:s18], [sflag:$0x2] =	stream.indirect.gather [hbm4b:s1+s16], $0x80, s16, s16, $0xb8;
	[tilespmem:$0x11C00] =	vst v63  }
0x1c: {  	_ =	swait.ge [sflag:s19], $0x4000  }
0x1d: {  	[sflag:s19] =	ssyncset.done $0x0  }
0x1e: {  	[sflag:s19] =	ssyncadd.s32 $0xFFFFC000  }
0x1f: {  	[hbm4b:s6+s3] =	stream.linear.scatter [tilespmem:s17], [sflag:$0x5], $0x4000, $0x38;
	[tilespmem:$0x11C00] =	vst v63  }
0x20: {  	s23 =	simm.s32 $0x100  }
0x21: {  	[tilespmem:s21], [sflag:$0x3] =	stream.indirect.gather [hbm4b:s1+s16], $0x80, s23, s16, $0xb8;
	[tilespmem:$0x11C00] =	vst v63  }
0x22: {  	_ =	swait.ge [sflag:s22], $0x4000  }
0x23: {  	[sflag:s22] =	ssyncset.done $0x0  }
0x24: {  	s7 =	rddreg [dreg:$0x5];
	[sflag:s22] =	ssyncadd.s32 $0xFFFFC000  }
0x25: {  	[hbm4b:s7+s3] =	stream.linear.scatter [tilespmem:s18], [sflag:$0x6], $0x4000, $0x38;
	[tilespmem:$0x11C00] =	vst v63  }
0x26: {  	s23 =	simm.s32 $0x180  }
0x27: {  	[tilespmem:s24], [sflag:$0x4] =	stream.indirect.gather [hbm4b:s1+s16], $0x80, s23, s16, $0xb8;
	[tilespmem:$0x11C00] =	vst v63  }
0x28: {  	_ =	swait.ge [sflag:s25], $0x4000  }
0x29: {  	[sflag:s25] =	ssyncset.done $0x0  }
0x2a: {  	[sflag:s25] =	ssyncadd.s32 $0xFFFFC000  }
0x2b: {  	[hbm4b:s8+s3] =	stream.linear.scatter [tilespmem:s21], [sflag:$0x7], $0x4000, $0x38;
	[tilespmem:$0x11C00] =	vst v63  }
0x2c: {  	_ =	swait.ge [sflag:s26], $0x4000  }
0x2d: {  	[sflag:s26] =	ssyncset.done $0x0  }
0x2e: {  	s7 =	simm.s32 $0x200;
	[sflag:s26] =	ssyncadd.s32 $0xFFFFC000  }
0x2f: {  	[tilespmem:s17], [sflag:$0x1] =	stream.indirect.gather [hbm4b:s1+s16], $0x80, s7, s16, $0xb8;
	[tilespmem:$0x11C00] =	vst v63  }
0x30: {  	_ =	swait.ge [sflag:s29], $0x4000  }
0x31: {  	[sflag:s29] =	ssyncset.done $0x0  }
0x32: {  	[sflag:s29] =	ssyncadd.s32 $0xFFFFC000  }
0x33: {  	[hbm4b:s9+s3] =	stream.linear.scatter [tilespmem:s24], [sflag:$0x8], $0x4000, $0x38;
	[tilespmem:$0x11C00] =	vst v63  }
0x34: {  	_ =	swait.ge [sflag:s30], $0x4000  }
0x35: {  	[sflag:s30] =	ssyncset.done $0x0  }
0x36: {  	s23 =	simm.s32 $0x280;
	[sflag:s30] =	ssyncadd.s32 $0xFFFFC000  }
0x37: {  	[tilespmem:s18], [sflag:$0x2] =	stream.indirect.gather [hbm4b:s1+s16], $0x80, s23, s16, $0xb8;
	[tilespmem:$0x11C00] =	vst v63  }
0x38: {  	_ =	swait.ge [sflag:s19], $0x4000  }
0x39: {  	s7 =	sshrl.u32 s13, $0x3;
	[sflag:s19] =	ssyncset.done $0x0  }
0x3a: {  	s5 =	sadd.s32 s4, s7;
	[sflag:s19] =	ssyncadd.s32 $0xFFFFC000  }
0x3b: {  	[hbm4b:s5+s3] =	stream.linear.scatter [tilespmem:s17], [sflag:$0x5], $0x4000, $0x38;
	[tilespmem:$0x11C00] =	vst v63  }
0x3c: {  	_ =	swait.ge [sflag:s2], $0x4000  }
0x3d: {  	[sflag:s2] =	ssyncset.done $0x0  }
0x3e: {  	s23 =	simm.s32 $0x300;
	[sflag:s2] =	ssyncadd.s32 $0xFFFFC000  }
0x3f: {  	[tilespmem:s21], [sflag:$0x3] =	stream.indirect.gather [hbm4b:s1+s16], $0x80, s23, s16, $0xb8;
	[tilespmem:$0x11C00] =	vst v63  }
0x40: {  	_ =	swait.ge [sflag:s22], $0x4000  }
0x41: {  	[sflag:s22] =	ssyncset.done $0x0  }
0x42: {  	[sflag:s22] =	ssyncadd.s32 $0xFFFFC000  }
0x43: {  	[hbm4b:s14+s3] =	stream.linear.scatter [tilespmem:s18], [sflag:$0x6], $0x4000, $0x38;
	[tilespmem:$0x11C00] =	vst v63  }
0x44: {  	_ =	swait.ge [sflag:s0], $0x4000  }
0x45: {  	[sflag:s0] =	ssyncset.done $0x0  }
0x46: {  	s7 =	simm.s32 $0x380;
	[sflag:s0] =	ssyncadd.s32 $0xFFFFC000  }
0x47: {  	[tilespmem:s24], [sflag:$0x4] =	stream.indirect.gather [hbm4b:s1+s16], $0x80, s7, s16, $0xb8;
	[tilespmem:$0x11C00] =	vst v63  }
0x48: {  	_ =	swait.ge [sflag:s25], $0x4000  }
0x49: {  	[sflag:s25] =	ssyncset.done $0x0  }
0x4a: {  	s23 =	sadd.s32 $0x800, s14;
	[sflag:s25] =	ssyncadd.s32 $0xFFFFC000  }
0x4b: {  	[hbm4b:s23+s3] =	stream.linear.scatter [tilespmem:s21], [sflag:$0x7], $0x4000, $0x38;
	[tilespmem:$0x11C00] =	vst v63  }
0x4c: {  	_ =	swait.ge [sflag:s26], $0x4000  }
0x4d: {  	[sflag:s26] =	ssyncset.done $0x0  }
0x4e: {  	s7 =	simm.s32 $0x400;
	[sflag:s26] =	ssyncadd.s32 $0xFFFFC000  }
0x4f: {  	[tilespmem:s17], [sflag:$0x1] =	stream.indirect.gather [hbm4b:s1+s16], $0x80, s7, s16, $0xb8;
	[tilespmem:$0x11C00] =	vst v63  }
0x50: {  	_ =	swait.ge [sflag:s29], $0x4000  }
0x51: {  	[sflag:s29] =	ssyncset.done $0x0  }
0x52: {  	s23 =	sadd.s32 $0x1000, s14;
	[sflag:s29] =	ssyncadd.s32 $0xFFFFC000  }
0x53: {  	[hbm4b:s23+s3] =	stream.linear.scatter [tilespmem:s24], [sflag:$0x8], $0x4000, $0x38;
	[tilespmem:$0x11C00] =	vst v63  }
0x54: {  	_ =	swait.ge [sflag:s30], $0x4000  }
0x55: {  	s28 =	sadd.s32 $0x2000, s14;
	s31 =	sadd.s32 $0x10000, s13;
	[sflag:s30] =	ssyncset.done $0x0  }
0x56: {  	s5 =	simm.s32 $0x480;
	s23 =	simm.s32 $0x800;
	[sflag:s30] =	ssyncadd.s32 $0xFFFFC000  }
.LBB2_2:
0x57: {  	[tilespmem:s18], [sflag:$0x2] =	stream.indirect.gather [hbm4b:s1+s16], $0x80, s5, s16, $0xb8;
	[tilespmem:$0x11C00] =	vst v63  }
0x58: {  	s5 =	smov.u32 s23  }
0x59: {  	p0 =	sne.s32 s23, $0x5000;
	s23 =	sadd.s32 $0x800, s23;
	_ =	swait.ge [sflag:s19], $0x4000  }
0x5a: {  	s7 =	sshrl.u32 s31, $0x3;
	[sflag:s19] =	ssyncset.done $0x0  }
0x5b: {  	s7 =	sadd.s32 s4, s7;
	[sflag:s19] =	ssyncadd.s32 $0xFFFFC000  }
0x5c: {  	[hbm4b:s7+s3] =	stream.linear.scatter [tilespmem:s17], [sflag:$0x5], $0x4000, $0x38;
	[tilespmem:$0x11C00] =	vst v63  }
0x5d: {  	_ =	swait.ge [sflag:s2], $0x4000  }
0x5e: {  	s5 =	sshra.s32 s5, $0x2;
	[sflag:s2] =	ssyncset.done $0x0  }
0x5f: {  	s7 =	sadd.s32 $0x300, s5;
	[sflag:s2] =	ssyncadd.s32 $0xFFFFC000  }
0x60: {  	[tilespmem:s21], [sflag:$0x3] =	stream.indirect.gather [hbm4b:s1+s16], $0x80, s7, s16, $0xb8;
	[tilespmem:$0x11C00] =	vst v63  }
0x61: {  	_ =	swait.ge [sflag:s22], $0x4000  }
0x62: {  	[sflag:s22] =	ssyncset.done $0x0  }
0x63: {  	[sflag:s22] =	ssyncadd.s32 $0xFFFFC000  }
0x64: {  	[hbm4b:s28+s3] =	stream.linear.scatter [tilespmem:s18], [sflag:$0x6], $0x4000, $0x38;
	[tilespmem:$0x11C00] =	vst v63  }
0x65: {  	_ =	swait.ge [sflag:s0], $0x4000  }
0x66: {  	[sflag:s0] =	ssyncset.done $0x0  }
0x67: {  	s7 =	sadd.s32 $0x380, s5;
	[sflag:s0] =	ssyncadd.s32 $0xFFFFC000  }
0x68: {  	[tilespmem:s24], [sflag:$0x4] =	stream.indirect.gather [hbm4b:s1+s16], $0x80, s7, s16, $0xb8;
	[tilespmem:$0x11C00] =	vst v63  }
0x69: {  	_ =	swait.ge [sflag:s25], $0x4000  }
0x6a: {  	[sflag:s25] =	ssyncset.done $0x0  }
0x6b: {  	s7 =	sadd.s32 $0x800, s28;
	[sflag:s25] =	ssyncadd.s32 $0xFFFFC000  }
0x6c: {  	[hbm4b:s7+s3] =	stream.linear.scatter [tilespmem:s21], [sflag:$0x7], $0x4000, $0x38;
	[tilespmem:$0x11C00] =	vst v63  }
0x6d: {  	_ =	swait.ge [sflag:s26], $0x4000  }
0x6e: {  	[sflag:s26] =	ssyncset.done $0x0  }
0x6f: {  	s7 =	sadd.s32 $0x400, s5;
	[sflag:s26] =	ssyncadd.s32 $0xFFFFC000  }
0x70: {  	[tilespmem:s17], [sflag:$0x1] =	stream.indirect.gather [hbm4b:s1+s16], $0x80, s7, s16, $0xb8;
	[tilespmem:$0x11C00] =	vst v63  }
0x71: {  	_ =	swait.ge [sflag:s29], $0x4000  }
0x72: {  	[sflag:s29] =	ssyncset.done $0x0  }
.Ltmp0:
0x73: {  	s7 =	sadd.s32 $0x1000, s28;
	[sflag:s29] =	ssyncadd.s32 $0xFFFFC000;
	(pc) =	sbr.rel @p0 .LBB2_2-.Ltmp0, $4  }
0x74: {  	[hbm4b:s7+s3] =	stream.linear.scatter [tilespmem:s24], [sflag:$0x8], $0x4000, $0x38;
	[tilespmem:$0x11C00] =	vst v63  }
0x75: {  	_ =	swait.ge [sflag:s30], $0x4000  }
0x76: {  	s28 =	sadd.s32 $0x2000, s28;
	[sflag:s30] =	ssyncset.done $0x0  }
0x77: {  	s31 =	sadd.s32 $0x10000, s31;
	s5 =	sadd.s32 $0x480, s5;
	[sflag:s30] =	ssyncadd.s32 $0xFFFFC000  }
0x78: {  	[tilespmem:s18], [sflag:$0x2] =	stream.indirect.gather [hbm4b:s1+s16], $0x80, s5, s16, $0xb8;
	[tilespmem:$0x11C00] =	vst v63  }
0x79: {  	_ =	swait.ge [sflag:s19], $0x4000  }
0x7a: {  	[sflag:s19] =	ssyncset.done $0x0  }
0x7b: {  	[sflag:s19] =	ssyncadd.s32 $0xFFFFC000  }
0x7c: {  	[hbm4b:s10+s3] =	stream.linear.scatter [tilespmem:s17], [sflag:$0x5], $0x4000, $0x38;
	[tilespmem:$0x11C00] =	vst v63  }
0x7d: {  	_ =	swait.ge [sflag:s22], $0x4000  }
0x7e: {  	[sflag:s22] =	ssyncset.done $0x0  }
0x7f: {  	[sflag:s22] =	ssyncadd.s32 $0xFFFFC000  }
0x80: {  	[hbm4b:s11+s3] =	stream.linear.scatter [tilespmem:s18], [sflag:$0x6], $0x4000, $0x38;
	[tilespmem:$0x11C00] =	vst v63  }
0x81: {  	_ =	swait.ge [sflag:s2], $0x4000  }
0x82: {  	[sflag:s2] =	ssyncset.done $0x0  }
0x83: {  	[sflag:s2] =	ssyncadd.s32 $0xFFFFC000  }
0x84: {  	_ =	swait.ge [sflag:s0], $0x4000  }
0x85: {  	[sflag:s0] =	ssyncset.done $0x0  }
0x86: {  	s20 =	sadd.s32 $0x1, s20;
	[sflag:s0] =	ssyncadd.s32 $0xFFFFC000  }
0x87: {  	p0 =	sne.s32 s20, s12;
	_ =	swait.ge [sflag:s26], $0x4000  }
.Ltmp1:
0x88: {  	[sflag:s26] =	ssyncset.done $0x0;
	(pc) =	sbr.rel @p0 .LBB2_1-.Ltmp1, $4  }
0x89: {  	[sflag:s26] =	ssyncadd.s32 $0xFFFFC000  }
0x8a: {  	_ =	swait.ge [sflag:s30], $0x4000  }
0x8b: {  	[sflag:s30] =	ssyncset.done $0x0  }
0x8c: {  	[sflag:s30] =	ssyncadd.s32 $0xFFFFC000  }
0x8d: {  	_ =	sfence.sel $0x180000  }
0x8e: {  	[bflag:$0x0] =	sbarrier.arrive $0xFFFF  }
0x8f: {  	_ =	strace $0x90000047  }
0x90: {  	s0 =	stileid.u32;
	[bflag:$0x2] =	sbarrier.arrive $0xFFFF  }
0x91: {  	p0 =	sne.s32 s0, $0x0;
	s0 =	rddreg [dreg:$0x3]  }
0x92: {  	s0 =	sadd.s32 @!p0 $0x100000, s0  }
0x93: {  	[sflag:s0] =	ssyncadd.tile.s32 @!p0 $0x1;
	_ =	shalt  }
.Lfunc_end2:
_tile_overlayer_lowered:
.L_overlay_start_2:
0x94: {  	(tag) =	ssettag $0x2  }
0x95: {  	s0 =	rddreg [dreg:$0x0];
	s2 =	stileid.u32  }
0x96: {  	s1 =	rddreg [dreg:$0x1];
	p0 =	sne.s32 s2, $0x0  }
0x97: {  	s3 =	rddreg [dreg:$0x2];
	[bflag:$0x3] =	sbarrier.arrive $0xFFFF;
	s2 =	simm.s32 @!p0 $0x1C09  }
0x98: {  	[timem:s3], [sflag:s2] =	dma.local @!p0 [hbm:s0], s1  }
0x99: {  	s0 =	simm.s32 @!p0 $0x9  }
0x9a: {  	_ =	swait.ge @!p0 [sflag:s0], s1  }
0x9b: {  	s1 =	ssub.s32 @!p0 $0x0, s1;
	[sflag:s0] =	ssyncset.done @!p0 $0x0  }
0x9c: {  	[sflag:s0] =	ssyncadd.s32 @!p0 s1  }
0x9d: {  	[bflag:$0x3] =	sbarrier.arrive $0xFFFF  }
0x9e: {  	_ =	shalt  }

</sc_bundles>
